<compile_context>
chip_gen: v7x
topology: tpu7x:2x2x1
jax: 0.10.2.dev20260603
libtpu: 0.0.44.dev20260713+nightly
codegen_flags: <defaults>
</compile_context>

<pallas_src>
import dataclasses
import functools

import jax
import jax.numpy as jnp
from jax import lax
from jax.experimental import pallas as pl
from jax.experimental.pallas import tpu as pltpu
from jax.experimental.pallas import tpu_sc as plsc

N = 10000
D = 128
N_PAD = 10240
NC, NS = 2, 16
NW = NC * NS
CHUNK = 64
NBUF = 3
_LEAD = NBUF // 2
_LAG = NBUF - _LEAD

_MESH = plsc.VectorSubcoreMesh(
    core_axis_name="c", subcore_axis_name="s", num_cores=NC, num_subcores=NS
)

_SC_CP = pltpu.CompilerParams()
if "needs_layout_passes" in pltpu.CompilerParams.__dataclass_fields__:
    _SC_CP = dataclasses.replace(_SC_CP, needs_layout_passes=False)


def _pad_edges(e):
    per = NW * CHUNK
    chunks_pt = (e + per - 1) // per
    chunks_pt = max(((chunks_pt + NBUF - 1) // NBUF) * NBUF, 2 * NBUF)
    return chunks_pt * per




def _sc_count(dst_p):
    e_pad = dst_p.shape[0]
    e_pt = e_pad // NW

    @functools.partial(
        pl.kernel,
        out_type=jax.ShapeDtypeStruct((NW, N_PAD), jnp.float32),
        mesh=_MESH,
        scratch_types=[
            pltpu.VMEM((e_pt,), jnp.int32),
            pltpu.VMEM((N_PAD,), jnp.float32),
        ],
        compiler_params=_SC_CP,
    )
    def k(dst_hbm, out_hbm, dst_v, cnt_v):
        c = lax.axis_index("c")
        s = lax.axis_index("s")
        wid = s * NC + c
        zero = jnp.zeros((16,), jnp.float32)

        @pl.loop(0, N_PAD // 16)
        def _(i):
            cnt_v[pl.ds(i * 16, 16)] = zero

        pltpu.sync_copy(dst_hbm.at[pl.ds(wid * e_pt, e_pt)], dst_v)
        ones = jnp.ones((16,), jnp.float32)

        @pl.loop(0, e_pt // 16)
        def _(i):
            idx = dst_v[pl.ds(i * 16, 16)]
            plsc.addupdate_scatter(cnt_v, [idx], ones)

        pltpu.sync_copy(cnt_v, out_hbm.at[wid])

    return k(dst_p)


def _sc_aggregate(g, idx_2d, zeros):
    chunks = idx_2d.shape[1]
    stripe = N_PAD // NS
    assert chunks % NBUF == 0 and chunks >= 2 * NBUF

    @functools.partial(
        pl.kernel,
        out_type=jax.ShapeDtypeStruct((NC * N_PAD, D), jnp.float32),
        mesh=_MESH,
        scratch_types=[
            pltpu.VMEM((chunks, 2 * CHUNK), jnp.int32),
            pltpu.VMEM((NBUF, CHUNK, D), jnp.float32),
            pltpu.VMEM_SHARED((N_PAD, D), jnp.float32),
            pltpu.SemaphoreType.DMA((NBUF,)),
            pltpu.SemaphoreType.DMA((NBUF,)),
            pltpu.SemaphoreType.DMA,
        ],
    )
    def k(g_hbm, idx_hbm, z_hbm, out_hbm, idx_v, rows_v, acc, gat, scat, sem0):
        c = lax.axis_index("c")
        s = lax.axis_index("s")
        wid = s * NC + c
        r0 = s * stripe
        idx_src = idx_hbm.at[wid]
        pltpu.async_copy(idx_src, idx_v, sem0)
        pltpu.sync_copy(z_hbm.at[pl.ds(r0, stripe)], acc.at[pl.ds(r0, stripe)])
        pltpu.make_async_copy(idx_src, idx_v, sem0).wait()
        plsc.subcore_barrier()

        def issue_gather(t, b):
            pltpu.async_copy(
                g_hbm.at[idx_v.at[t, pl.ds(0, CHUNK)]], rows_v.at[b], gat.at[b])

        def wait_gather(t, b):
            pltpu.make_async_copy(
                g_hbm.at[idx_v.at[t, pl.ds(0, CHUNK)]], rows_v.at[b],
                gat.at[b]).wait()

        def issue_scatter(t, b):
            pltpu.async_copy(rows_v.at[b],
                             acc.at[idx_v.at[t, pl.ds(CHUNK, CHUNK)]],
                             scat.at[b], add=True)

        def wait_scatter(t, b):
            pltpu.make_async_copy(
                rows_v.at[b], acc.at[idx_v.at[t, pl.ds(CHUNK, CHUNK)]],
                scat.at[b]).wait()

        for t in range(_LEAD):
            issue_gather(t, t)
        for t in range(_LAG):
            wait_gather(t, t % NBUF)
            issue_scatter(t, t % NBUF)
            issue_gather(t + _LEAD, (t + _LEAD) % NBUF)

        @pl.loop(0, (chunks - NBUF) // NBUF)
        def _(i):
            for kk in range(NBUF):
                t = _LAG + i * NBUF + kk
                b = (_LAG + kk) % NBUF
                bu = kk
                wait_gather(t, b)
                issue_scatter(t, b)
                wait_scatter(t - _LAG, bu)
                issue_gather(t + _LEAD, bu)

        for tt in range(_LEAD):
            t = chunks - _LEAD + tt
            wait_gather(t, t % NBUF)
            issue_scatter(t, t % NBUF)
        for b in range(NBUF):
            wait_scatter(0, b)

        plsc.subcore_barrier()
        pltpu.sync_copy(
            acc.at[pl.ds(r0, stripe)], out_hbm.at[pl.ds(c * N_PAD + r0, stripe)]
        )

    return k(g, idx_2d, zeros)




def _dinv_from_counts(cnt):
    deg = jnp.sum(cnt, axis=0) + 1.0
    return lax.rsqrt(deg)


def _tc_g1(cnt, x_p, W1):
    def body(cnt_ref, x_ref, w_ref, o_ref):
        dinv = _dinv_from_counts(cnt_ref[...])
        h = jnp.dot(
            x_ref[...], w_ref[...],
            preferred_element_type=jnp.float32,
            precision=lax.Precision.HIGHEST,
        )
        o_ref[...] = h * dinv[:, None]

    return pl.pallas_call(
        body, out_shape=jax.ShapeDtypeStruct((N_PAD, D), jnp.float32)
    )(cnt, x_p, W1)


def _tc_mid(cnt, agg, g1, b1, W2):
    def body(cnt_ref, agg_ref, g1_ref, b1_ref, w2_ref, o_ref):
        dinv = _dinv_from_counts(cnt_ref[...])
        ssum = agg_ref[:N_PAD, :] + agg_ref[N_PAD:, :] + g1_ref[...]
        h1 = jnp.maximum(ssum * dinv[:, None] + b1_ref[...][None, :], 0.0)
        h2 = jnp.dot(
            h1, w2_ref[...],
            preferred_element_type=jnp.float32,
            precision=lax.Precision.HIGHEST,
        )
        o_ref[...] = h2 * dinv[:, None]

    return pl.pallas_call(
        body, out_shape=jax.ShapeDtypeStruct((N_PAD, D), jnp.float32)
    )(cnt, agg, g1, b1, W2)


def _tc_final(cnt, agg, g2, b2):
    def body(cnt_ref, agg_ref, g2_ref, b2_ref, o_ref):
        dinv = _dinv_from_counts(cnt_ref[...])
        ssum = agg_ref[:N_PAD, :] + agg_ref[N_PAD:, :] + g2_ref[...]
        o_ref[...] = ssum * dinv[:, None] + b2_ref[...][None, :]

    return pl.pallas_call(
        body, out_shape=jax.ShapeDtypeStruct((N_PAD, D), jnp.float32)
    )(cnt, agg, g2, b2)




def kernel(x, edge_index, W1, b1, W2, b2):
    e = edge_index.shape[1]
    e_pad = _pad_edges(e)
    chunks = e_pad // (NW * CHUNK)
    pad = jnp.full((e_pad - e,), N, dtype=jnp.int32)
    src_p = jnp.concatenate([edge_index[0], pad])
    dst_p = jnp.concatenate([edge_index[1], pad])
    idx_2d = jnp.concatenate(
        [src_p.reshape(NW, chunks, CHUNK), dst_p.reshape(NW, chunks, CHUNK)],
        axis=2,
    )
    x_p = jnp.pad(x, ((0, N_PAD - N), (0, 0)))
    zeros = jnp.zeros((N_PAD, D), jnp.float32)

    cnt = _sc_count(dst_p)
    g1 = _tc_g1(cnt, x_p, W1)
    agg1 = _sc_aggregate(g1, idx_2d, zeros)
    g2 = _tc_mid(cnt, agg1, g1, b1, W2)
    agg2 = _sc_aggregate(g2, idx_2d, zeros)
    out = _tc_final(cnt, agg2, g2, b2)
    return out[:N]

# --- scband reference (transcript-rebuilt; emitter-appended) ---
"""Pipeline reference for scband-gcn-27006754357652 (READ-ONLY COPY).

The authoritative reference and input builder live on the scoring server;
editing this copy changes nothing except your own understanding.
"""

import jax, jax.numpy as jnp
import numpy as np

N = 10000
E = 320000
D_IN = 128
D_HID = 128
D_OUT = 128


def _glorot(key, fan_in, fan_out):
    limit = jnp.sqrt(6.0 / (fan_in + fan_out))
    return jax.random.uniform(key, (fan_in, fan_out), dtype=jnp.float32, minval=-limit, maxval=limit)


def setup_inputs(seed: int = 0) -> dict:
    key = jax.random.key(seed)
    k1, k2, k3, k4 = jax.random.split(key, 4)
    x = jax.random.normal(k1, (N, D_IN), dtype=jnp.float32)
    edge_index = jax.random.randint(k2, (2, E), 0, N, dtype=jnp.int32)
    W1 = _glorot(k3, D_IN, D_HID)
    b1 = jnp.zeros((D_HID,), dtype=jnp.float32)
    W2 = _glorot(k4, D_HID, D_OUT)
    b2 = jnp.zeros((D_OUT,), dtype=jnp.float32)
    return {"x": x, "edge_index": edge_index, "W1": W1, "b1": b1, "W2": W2, "b2": b2}


def _gcn_conv(x, edge_index, W, b):
    # GCNConv: out = D^{-1/2} (A + I) D^{-1/2} (x W) + b
    n = x.shape[0]
    src = edge_index[0]
    dst = edge_index[1]
    loop = jnp.arange(n, dtype=edge_index.dtype)
    src = jnp.concatenate([src, loop])
    dst = jnp.concatenate([dst, loop])
    ones = jnp.ones(src.shape[0], dtype=x.dtype)
    deg = jnp.zeros((n,), dtype=x.dtype).at[dst].add(ones)
    dinv = jnp.where(deg > 0, jax.lax.rsqrt(jnp.maximum(deg, 1e-12)), 0.0)
    norm = dinv[src] * dinv[dst]
    h = x @ W
    msg = h[src] * norm[:, None]
    out = jnp.zeros((n, h.shape[1]), dtype=x.dtype).at[dst].add(msg)
    return out + b


def reference(x, edge_index, W1, b1, W2, b2):
    h = _gcn_conv(x, edge_index, W1, b1)
    h = jax.nn.relu(h)
    # dropout p=0.3 is identity in eval mode
    out = _gcn_conv(h, edge_index, W2, b2)
    return out

if __name__ == "__main__":
    import jax
    _d = setup_inputs()
    print(jax.jit(kernel)(*tuple(_d.values())))

</pallas_src>

<mosaic_0001>
#map = affine_map<(d0, d1) -> (0, 0)>
#map1 = affine_map<(d0, d1) -> (0, 0, 0)>
module attributes {stable_mosaic.version = 14 : i64} {
  func.func @k(%arg0: i32, %arg1: i32, %arg2: memref<10240x128xf32, #tpu.memory_space<hbm>>, %arg3: memref<32x159x128xi32, #tpu.memory_space<hbm>>, %arg4: memref<10240x128xf32, #tpu.memory_space<hbm>>, %arg5: memref<20480x128xf32, #tpu.memory_space<hbm>>, %arg6: memref<159x128xi32, #tpu.memory_space<vmem>>, %arg7: memref<3x64x128xf32, #tpu.memory_space<vmem>>, %arg8: memref<10240x128xf32, #tpu.memory_space<vmem_shared>>, %arg9: memref<3x!tpu.dma_semaphore, #tpu.memory_space<semaphore_mem>>, %arg10: memref<3x!tpu.dma_semaphore, #tpu.memory_space<semaphore_mem>>, %arg11: memref<!tpu.dma_semaphore, #tpu.memory_space<semaphore_mem>>) attributes {dimension_semantics = [#tpu.dimension_semantics<core_parallel>, #tpu.dimension_semantics<subcore_parallel>], iteration_bounds = array<i64: 2, 16>, scalar_prefetch = 0 : i64, scratch_operands = 6 : i64, tpu.core_type = #tpu.core_type<sc_vector_subcore>, window_params = [{transform_indices = #map}, {transform_indices = #map1}, {transform_indices = #map}, {transform_indices = #map}]} {
    %mul3A = arith.constant 2 : i32
    %mul3A_0 = arith.muli %arg1, %mul3A : i32
    %add3A = arith.addi %mul3A_0, %arg0 : i32
    %mul3A_1 = arith.constant 640 : i32
    %mul3A_2 = arith.muli %arg1, %mul3A_1 : i32
    %dma_start3A = arith.constant 0 : i32
    %dma_start3A_3 = arith.constant 0 : i32
    %dma_start3A_4 = tpu.memref_slice %arg3[%add3A, %dma_start3A, %dma_start3A_3] : memref<32x159x128xi32, #tpu.memory_space<hbm>> -> memref<1x159x128xi32, #tpu.memory_space<hbm>>
    %dma_start3A_5 = tpu.memref_squeeze %dma_start3A_4 : memref<1x159x128xi32, #tpu.memory_space<hbm>> -> memref<159x128xi32, #tpu.memory_space<hbm>>
    %dma_start3A_6 = arith.constant 0 : i32
    %dma_start3A_7 = arith.constant 0 : i32
    %dma_start3A_8 = tpu.memref_slice %arg3[%add3A, %dma_start3A_6, %dma_start3A_7] : memref<32x159x128xi32, #tpu.memory_space<hbm>> -> memref<1x159x128xi32, #tpu.memory_space<hbm>>
    %dma_start3A_9 = tpu.memref_squeeze %dma_start3A_8 : memref<1x159x128xi32, #tpu.memory_space<hbm>> -> memref<159x128xi32, #tpu.memory_space<hbm>>
    tpu.enqueue_dma source(%dma_start3A_9 : memref<159x128xi32, #tpu.memory_space<hbm>>) target(%arg6 : memref<159x128xi32, #tpu.memory_space<vmem>>) target_semaphore(%arg11 : memref<!tpu.dma_semaphore, #tpu.memory_space<semaphore_mem>>)
    "tpu.region"() ({
      %run_scoped3A = tpu.sem_alloc : memref<!tpu.dma_semaphore, #tpu.memory_space<semaphore_mem>>
      %dma_start3A_205 = arith.constant 0 : i32
      %dma_start3A_206 = tpu.memref_slice %arg8[%mul3A_2, %dma_start3A_205] : memref<10240x128xf32, #tpu.memory_space<vmem_shared>> -> memref<640x128xf32, #tpu.memory_space<vmem_shared>>
      %dma_start3A_207 = arith.constant 0 : i32
      %dma_start3A_208 = tpu.memref_slice %arg4[%mul3A_2, %dma_start3A_207] : memref<10240x128xf32, #tpu.memory_space<hbm>> -> memref<640x128xf32, #tpu.memory_space<hbm>>
      tpu.enqueue_dma source(%dma_start3A_208 : memref<640x128xf32, #tpu.memory_space<hbm>>) target(%dma_start3A_206 : memref<640x128xf32, #tpu.memory_space<vmem_shared>>) target_semaphore(%run_scoped3A : memref<!tpu.dma_semaphore, #tpu.memory_space<semaphore_mem>>)
      %dma_wait3A_209 = arith.constant 0 : i32
      %dma_wait3A_210 = tpu.memref_slice %arg8[%mul3A_2, %dma_wait3A_209] : memref<10240x128xf32, #tpu.memory_space<vmem_shared>> -> memref<640x128xf32, #tpu.memory_space<vmem_shared>>
      %dma_wait3A_211 = arith.constant 0 : i32
      %dma_wait3A_212 = tpu.memref_slice %arg4[%mul3A_2, %dma_wait3A_211] : memref<10240x128xf32, #tpu.memory_space<hbm>> -> memref<640x128xf32, #tpu.memory_space<hbm>>
      tpu.wait_dma2 semaphore(%run_scoped3A : memref<!tpu.dma_semaphore, #tpu.memory_space<semaphore_mem>>) src(%dma_wait3A_212 : memref<640x128xf32, #tpu.memory_space<hbm>>) dst(%dma_wait3A_210 : memref<640x128xf32, #tpu.memory_space<vmem_shared>>)
      tpu.yield
    }) : () -> ()
    %dma_wait3A = arith.constant 0 : i32
    %dma_wait3A_10 = arith.constant 0 : i32
    %dma_wait3A_11 = tpu.memref_slice %arg3[%add3A, %dma_wait3A, %dma_wait3A_10] : memref<32x159x128xi32, #tpu.memory_space<hbm>> -> memref<1x159x128xi32, #tpu.memory_space<hbm>>
    %dma_wait3A_12 = tpu.memref_squeeze %dma_wait3A_11 : memref<1x159x128xi32, #tpu.memory_space<hbm>> -> memref<159x128xi32, #tpu.memory_space<hbm>>
    %dma_wait3A_13 = arith.constant 0 : i32
    %dma_wait3A_14 = arith.constant 0 : i32
    %dma_wait3A_15 = tpu.memref_slice %arg3[%add3A, %dma_wait3A_13, %dma_wait3A_14] : memref<32x159x128xi32, #tpu.memory_space<hbm>> -> memref<1x159x128xi32, #tpu.memory_space<hbm>>
    %dma_wait3A_16 = tpu.memref_squeeze %dma_wait3A_15 : memref<1x159x128xi32, #tpu.memory_space<hbm>> -> memref<159x128xi32, #tpu.memory_space<hbm>>
    tpu.wait_dma2 semaphore(%arg11 : memref<!tpu.dma_semaphore, #tpu.memory_space<semaphore_mem>>) src(%dma_wait3A_16 : memref<159x128xi32, #tpu.memory_space<hbm>>) dst(%arg6 : memref<159x128xi32, #tpu.memory_space<vmem>>)
    %barrier3A = arith.constant 0 : index
    tpu.barrier barrier_id(%barrier3A)
    %dma_start3A_17 = arith.constant 0 : i32
    %dma_start3A_18 = arith.constant 0 : i32
    %dma_start3A_19 = arith.constant 0 : i32
    %dma_start3A_20 = arith.constant 0 : i32
    %dma_start3A_21 = arith.constant 0 : i32
    %dma_start3A_22 = tpu.memref_slice %arg7[%dma_start3A_18, %dma_start3A_20, %dma_start3A_21] : memref<3x64x128xf32, #tpu.memory_space<vmem>> -> memref<1x64x128xf32, #tpu.memory_space<vmem>>
    %dma_start3A_23 = tpu.memref_squeeze %dma_start3A_22 : memref<1x64x128xf32, #tpu.memory_space<vmem>> -> memref<64x128xf32, #tpu.memory_space<vmem>>
    %dma_start3A_24 = arith.constant 0 : i32
    %dma_start3A_25 = tpu.memref_slice %arg6[%dma_start3A_17, %dma_start3A_24] : memref<159x128xi32, #tpu.memory_space<vmem>> -> memref<1x64xi32, #tpu.memory_space<vmem>>
    %dma_start3A_26 = tpu.memref_squeeze %dma_start3A_25 : memref<1x64xi32, #tpu.memory_space<vmem>> -> memref<64xi32, #tpu.memory_space<vmem>>
    %dma_start3A_27 = arith.constant 0 : i32
    %dma_start3A_28 = arith.constant 0 : i32
    %dma_start3A_29 = tpu.memref_slice %arg2[%dma_start3A_27, %dma_start3A_28] : memref<10240x128xf32, #tpu.memory_space<hbm>> -> memref<10240x128xf32, #tpu.memory_space<hbm>>
    %dma_start3A_30 = tpu.memref_slice %arg9[%dma_start3A_19] : memref<3x!tpu.dma_semaphore, #tpu.memory_space<semaphore_mem>> -> memref<1x!tpu.dma_semaphore, #tpu.memory_space<semaphore_mem>>
    %dma_start3A_31 = tpu.memref_squeeze %dma_start3A_30 : memref<1x!tpu.dma_semaphore, #tpu.memory_space<semaphore_mem>> -> memref<!tpu.dma_semaphore, #tpu.memory_space<semaphore_mem>>
    tpu.enqueue_indirect_dma source(%dma_start3A_29 : memref<10240x128xf32, #tpu.memory_space<hbm>>) target(%dma_start3A_23 : memref<64x128xf32, #tpu.memory_space<vmem>>) offsets(%dma_start3A_26 : memref<64xi32, #tpu.memory_space<vmem>>) semaphore(%dma_start3A_31 : memref<!tpu.dma_semaphore, #tpu.memory_space<semaphore_mem>>)
    %dma_wait3A_32 = arith.constant 0 : i32
    %dma_wait3A_33 = arith.constant 0 : i32
    %dma_wait3A_34 = arith.constant 0 : i32
    %dma_wait3A_35 = arith.constant 0 : i32
    %dma_wait3A_36 = arith.constant 0 : i32
    %dma_wait3A_37 = tpu.memref_slice %arg7[%dma_wait3A_33, %dma_wait3A_35, %dma_wait3A_36] : memref<3x64x128xf32, #tpu.memory_space<vmem>> -> memref<1x64x128xf32, #tpu.memory_space<vmem>>
    %dma_wait3A_38 = tpu.memref_squeeze %dma_wait3A_37 : memref<1x64x128xf32, #tpu.memory_space<vmem>> -> memref<64x128xf32, #tpu.memory_space<vmem>>
    %dma_wait3A_39 = arith.constant 0 : i32
    %dma_wait3A_40 = tpu.memref_slice %arg6[%dma_wait3A_32, %dma_wait3A_39] : memref<159x128xi32, #tpu.memory_space<vmem>> -> memref<1x64xi32, #tpu.memory_space<vmem>>
    %dma_wait3A_41 = tpu.memref_squeeze %dma_wait3A_40 : memref<1x64xi32, #tpu.memory_space<vmem>> -> memref<64xi32, #tpu.memory_space<vmem>>
    %dma_wait3A_42 = arith.constant 0 : i32
    %dma_wait3A_43 = arith.constant 0 : i32
    %dma_wait3A_44 = tpu.memref_slice %arg2[%dma_wait3A_42, %dma_wait3A_43] : memref<10240x128xf32, #tpu.memory_space<hbm>> -> memref<10240x128xf32, #tpu.memory_space<hbm>>
    %dma_wait3A_45 = tpu.memref_slice %arg9[%dma_wait3A_34] : memref<3x!tpu.dma_semaphore, #tpu.memory_space<semaphore_mem>> -> memref<1x!tpu.dma_semaphore, #tpu.memory_space<semaphore_mem>>
    %dma_wait3A_46 = tpu.memref_squeeze %dma_wait3A_45 : memref<1x!tpu.dma_semaphore, #tpu.memory_space<semaphore_mem>> -> memref<!tpu.dma_semaphore, #tpu.memory_space<semaphore_mem>>
    tpu.wait_indirect_dma semaphore(%dma_wait3A_46 : memref<!tpu.dma_semaphore, #tpu.memory_space<semaphore_mem>>) src(%dma_wait3A_44 : memref<10240x128xf32, #tpu.memory_space<hbm>>) dst(%dma_wait3A_38 : memref<64x128xf32, #tpu.memory_space<vmem>>)
    %dma_start3A_47 = arith.constant 0 : i32
    %dma_start3A_48 = arith.constant 0 : i32
    %dma_start3A_49 = arith.constant 0 : i32
    %dma_start3A_50 = arith.constant 0 : i32
    %dma_start3A_51 = arith.constant 0 : i32
    %dma_start3A_52 = tpu.memref_slice %arg7[%dma_start3A_47, %dma_start3A_50, %dma_start3A_51] : memref<3x64x128xf32, #tpu.memory_space<vmem>> -> memref<1x64x128xf32, #tpu.memory_space<vmem>>
    %dma_start3A_53 = tpu.memref_squeeze %dma_start3A_52 : memref<1x64x128xf32, #tpu.memory_space<vmem>> -> memref<64x128xf32, #tpu.memory_space<vmem>>
    %dma_start3A_54 = arith.constant 64 : i32
    %dma_start3A_55 = tpu.memref_slice %arg6[%dma_start3A_48, %dma_start3A_54] : memref<159x128xi32, #tpu.memory_space<vmem>> -> memref<1x64xi32, #tpu.memory_space<vmem>>
    %dma_start3A_56 = tpu.memref_squeeze %dma_start3A_55 : memref<1x64xi32, #tpu.memory_space<vmem>> -> memref<64xi32, #tpu.memory_space<vmem>>
    %dma_start3A_57 = arith.constant 0 : i32
    %dma_start3A_58 = arith.constant 0 : i32
    %dma_start3A_59 = tpu.memref_slice %arg8[%dma_start3A_57, %dma_start3A_58] : memref<10240x128xf32, #tpu.memory_space<vmem_shared>> -> memref<10240x128xf32, #tpu.memory_space<vmem_shared>>
    %dma_start3A_60 = tpu.memref_slice %arg10[%dma_start3A_49] : memref<3x!tpu.dma_semaphore, #tpu.memory_space<semaphore_mem>> -> memref<1x!tpu.dma_semaphore, #tpu.memory_space<semaphore_mem>>
    %dma_start3A_61 = tpu.memref_squeeze %dma_start3A_60 : memref<1x!tpu.dma_semaphore, #tpu.memory_space<semaphore_mem>> -> memref<!tpu.dma_semaphore, #tpu.memory_space<semaphore_mem>>
    tpu.enqueue_indirect_dma source(%dma_start3A_53 : memref<64x128xf32, #tpu.memory_space<vmem>>) target(%dma_start3A_59 : memref<10240x128xf32, #tpu.memory_space<vmem_shared>>) offsets(%dma_start3A_56 : memref<64xi32, #tpu.memory_space<vmem>>) semaphore(%dma_start3A_61 : memref<!tpu.dma_semaphore, #tpu.memory_space<semaphore_mem>>) {add = true}
    %dma_start3A_62 = arith.constant 1 : i32
    %dma_start3A_63 = arith.constant 1 : i32
    %dma_start3A_64 = arith.constant 1 : i32
    %dma_start3A_65 = arith.constant 0 : i32
    %dma_start3A_66 = arith.constant 0 : i32
    %dma_start3A_67 = tpu.memref_slice %arg7[%dma_start3A_63, %dma_start3A_65, %dma_start3A_66] : memref<3x64x128xf32, #tpu.memory_space<vmem>> -> memref<1x64x128xf32, #tpu.memory_space<vmem>>
    %dma_start3A_68 = tpu.memref_squeeze %dma_start3A_67 : memref<1x64x128xf32, #tpu.memory_space<vmem>> -> memref<64x128xf32, #tpu.memory_space<vmem>>
    %dma_start3A_69 = arith.constant 0 : i32
    %dma_start3A_70 = tpu.memref_slice %arg6[%dma_start3A_62, %dma_start3A_69] : memref<159x128xi32, #tpu.memory_space<vmem>> -> memref<1x64xi32, #tpu.memory_space<vmem>>
    %dma_start3A_71 = tpu.memref_squeeze %dma_start3A_70 : memref<1x64xi32, #tpu.memory_space<vmem>> -> memref<64xi32, #tpu.memory_space<vmem>>
    %dma_start3A_72 = arith.constant 0 : i32
    %dma_start3A_73 = arith.constant 0 : i32
    %dma_start3A_74 = tpu.memref_slice %arg2[%dma_start3A_72, %dma_start3A_73] : memref<10240x128xf32, #tpu.memory_space<hbm>> -> memref<10240x128xf32, #tpu.memory_space<hbm>>
    %dma_start3A_75 = tpu.memref_slice %arg9[%dma_start3A_64] : memref<3x!tpu.dma_semaphore, #tpu.memory_space<semaphore_mem>> -> memref<1x!tpu.dma_semaphore, #tpu.memory_space<semaphore_mem>>
    %dma_start3A_76 = tpu.memref_squeeze %dma_start3A_75 : memref<1x!tpu.dma_semaphore, #tpu.memory_space<semaphore_mem>> -> memref<!tpu.dma_semaphore, #tpu.memory_space<semaphore_mem>>
    tpu.enqueue_indirect_dma source(%dma_start3A_74 : memref<10240x128xf32, #tpu.memory_space<hbm>>) target(%dma_start3A_68 : memref<64x128xf32, #tpu.memory_space<vmem>>) offsets(%dma_start3A_71 : memref<64xi32, #tpu.memory_space<vmem>>) semaphore(%dma_start3A_76 : memref<!tpu.dma_semaphore, #tpu.memory_space<semaphore_mem>>)
    %dma_wait3A_77 = arith.constant 1 : i32
    %dma_wait3A_78 = arith.constant 1 : i32
    %dma_wait3A_79 = arith.constant 1 : i32
    %dma_wait3A_80 = arith.constant 0 : i32
    %dma_wait3A_81 = arith.constant 0 : i32
    %dma_wait3A_82 = tpu.memref_slice %arg7[%dma_wait3A_78, %dma_wait3A_80, %dma_wait3A_81] : memref<3x64x128xf32, #tpu.memory_space<vmem>> -> memref<1x64x128xf32, #tpu.memory_space<vmem>>
    %dma_wait3A_83 = tpu.memref_squeeze %dma_wait3A_82 : memref<1x64x128xf32, #tpu.memory_space<vmem>> -> memref<64x128xf32, #tpu.memory_space<vmem>>
    %dma_wait3A_84 = arith.constant 0 : i32
    %dma_wait3A_85 = tpu.memref_slice %arg6[%dma_wait3A_77, %dma_wait3A_84] : memref<159x128xi32, #tpu.memory_space<vmem>> -> memref<1x64xi32, #tpu.memory_space<vmem>>
    %dma_wait3A_86 = tpu.memref_squeeze %dma_wait3A_85 : memref<1x64xi32, #tpu.memory_space<vmem>> -> memref<64xi32, #tpu.memory_space<vmem>>
    %dma_wait3A_87 = arith.constant 0 : i32
    %dma_wait3A_88 = arith.constant 0 : i32
    %dma_wait3A_89 = tpu.memref_slice %arg2[%dma_wait3A_87, %dma_wait3A_88] : memref<10240x128xf32, #tpu.memory_space<hbm>> -> memref<10240x128xf32, #tpu.memory_space<hbm>>
    %dma_wait3A_90 = tpu.memref_slice %arg9[%dma_wait3A_79] : memref<3x!tpu.dma_semaphore, #tpu.memory_space<semaphore_mem>> -> memref<1x!tpu.dma_semaphore, #tpu.memory_space<semaphore_mem>>
    %dma_wait3A_91 = tpu.memref_squeeze %dma_wait3A_90 : memref<1x!tpu.dma_semaphore, #tpu.memory_space<semaphore_mem>> -> memref<!tpu.dma_semaphore, #tpu.memory_space<semaphore_mem>>
    tpu.wait_indirect_dma semaphore(%dma_wait3A_91 : memref<!tpu.dma_semaphore, #tpu.memory_space<semaphore_mem>>) src(%dma_wait3A_89 : memref<10240x128xf32, #tpu.memory_space<hbm>>) dst(%dma_wait3A_83 : memref<64x128xf32, #tpu.memory_space<vmem>>)
    %dma_start3A_92 = arith.constant 1 : i32
    %dma_start3A_93 = arith.constant 1 : i32
    %dma_start3A_94 = arith.constant 1 : i32
    %dma_start3A_95 = arith.constant 0 : i32
    %dma_start3A_96 = arith.constant 0 : i32
    %dma_start3A_97 = tpu.memref_slice %arg7[%dma_start3A_92, %dma_start3A_95, %dma_start3A_96] : memref<3x64x128xf32, #tpu.memory_space<vmem>> -> memref<1x64x128xf32, #tpu.memory_space<vmem>>
    %dma_start3A_98 = tpu.memref_squeeze %dma_start3A_97 : memref<1x64x128xf32, #tpu.memory_space<vmem>> -> memref<64x128xf32, #tpu.memory_space<vmem>>
    %dma_start3A_99 = arith.constant 64 : i32
    %dma_start3A_100 = tpu.memref_slice %arg6[%dma_start3A_93, %dma_start3A_99] : memref<159x128xi32, #tpu.memory_space<vmem>> -> memref<1x64xi32, #tpu.memory_space<vmem>>
    %dma_start3A_101 = tpu.memref_squeeze %dma_start3A_100 : memref<1x64xi32, #tpu.memory_space<vmem>> -> memref<64xi32, #tpu.memory_space<vmem>>
    %dma_start3A_102 = arith.constant 0 : i32
    %dma_start3A_103 = arith.constant 0 : i32
    %dma_start3A_104 = tpu.memref_slice %arg8[%dma_start3A_102, %dma_start3A_103] : memref<10240x128xf32, #tpu.memory_space<vmem_shared>> -> memref<10240x128xf32, #tpu.memory_space<vmem_shared>>
    %dma_start3A_105 = tpu.memref_slice %arg10[%dma_start3A_94] : memref<3x!tpu.dma_semaphore, #tpu.memory_space<semaphore_mem>> -> memref<1x!tpu.dma_semaphore, #tpu.memory_space<semaphore_mem>>
    %dma_start3A_106 = tpu.memref_squeeze %dma_start3A_105 : memref<1x!tpu.dma_semaphore, #tpu.memory_space<semaphore_mem>> -> memref<!tpu.dma_semaphore, #tpu.memory_space<semaphore_mem>>
    tpu.enqueue_indirect_dma source(%dma_start3A_98 : memref<64x128xf32, #tpu.memory_space<vmem>>) target(%dma_start3A_104 : memref<10240x128xf32, #tpu.memory_space<vmem_shared>>) offsets(%dma_start3A_101 : memref<64xi32, #tpu.memory_space<vmem>>) semaphore(%dma_start3A_106 : memref<!tpu.dma_semaphore, #tpu.memory_space<semaphore_mem>>) {add = true}
    %dma_start3A_107 = arith.constant 2 : i32
    %dma_start3A_108 = arith.constant 2 : i32
    %dma_start3A_109 = arith.constant 2 : i32
    %dma_start3A_110 = arith.constant 0 : i32
    %dma_start3A_111 = arith.constant 0 : i32
    %dma_start3A_112 = tpu.memref_slice %arg7[%dma_start3A_108, %dma_start3A_110, %dma_start3A_111] : memref<3x64x128xf32, #tpu.memory_space<vmem>> -> memref<1x64x128xf32, #tpu.memory_space<vmem>>
    %dma_start3A_113 = tpu.memref_squeeze %dma_start3A_112 : memref<1x64x128xf32, #tpu.memory_space<vmem>> -> memref<64x128xf32, #tpu.memory_space<vmem>>
    %dma_start3A_114 = arith.constant 0 : i32
    %dma_start3A_115 = tpu.memref_slice %arg6[%dma_start3A_107, %dma_start3A_114] : memref<159x128xi32, #tpu.memory_space<vmem>> -> memref<1x64xi32, #tpu.memory_space<vmem>>
    %dma_start3A_116 = tpu.memref_squeeze %dma_start3A_115 : memref<1x64xi32, #tpu.memory_space<vmem>> -> memref<64xi32, #tpu.memory_space<vmem>>
    %dma_start3A_117 = arith.constant 0 : i32
    %dma_start3A_118 = arith.constant 0 : i32
    %dma_start3A_119 = tpu.memref_slice %arg2[%dma_start3A_117, %dma_start3A_118] : memref<10240x128xf32, #tpu.memory_space<hbm>> -> memref<10240x128xf32, #tpu.memory_space<hbm>>
    %dma_start3A_120 = tpu.memref_slice %arg9[%dma_start3A_109] : memref<3x!tpu.dma_semaphore, #tpu.memory_space<semaphore_mem>> -> memref<1x!tpu.dma_semaphore, #tpu.memory_space<semaphore_mem>>
    %dma_start3A_121 = tpu.memref_squeeze %dma_start3A_120 : memref<1x!tpu.dma_semaphore, #tpu.memory_space<semaphore_mem>> -> memref<!tpu.dma_semaphore, #tpu.memory_space<semaphore_mem>>
    tpu.enqueue_indirect_dma source(%dma_start3A_119 : memref<10240x128xf32, #tpu.memory_space<hbm>>) target(%dma_start3A_113 : memref<64x128xf32, #tpu.memory_space<vmem>>) offsets(%dma_start3A_116 : memref<64xi32, #tpu.memory_space<vmem>>) semaphore(%dma_start3A_121 : memref<!tpu.dma_semaphore, #tpu.memory_space<semaphore_mem>>)
    %scan3A = arith.constant 0 : i32
    %scan3A_122 = arith.constant 52 : i32
    %scan3A_123 = arith.addi %scan3A, %scan3A_122 : i32
    %scan3A_124 = arith.constant 1 : i32
    scf.for %scan3A_205 = %scan3A to %scan3A_123 step %scan3A_124  : i32 {
      %mul3A_206 = arith.constant 1 : i32
      %mul3A_207 = arith.muli %scan3A_205, %mul3A_206 : i32
      %add3A_208 = arith.constant 0 : i32
      %add3A_209 = arith.addi %add3A_208, %mul3A_207 : i32
      %mul3A_210 = arith.constant 3 : i32
      %mul3A_211 = arith.muli %add3A_209, %mul3A_210 : i32
      %add3A_212 = arith.constant 2 : i32
      %add3A_213 = arith.addi %add3A_212, %mul3A_211 : i32
      %add3A_214 = arith.constant 0 : i32
      %add3A_215 = arith.addi %add3A_213, %add3A_214 : i32
      %dma_wait3A_216 = arith.constant 2 : i32
      %dma_wait3A_217 = arith.constant 2 : i32
      %dma_wait3A_218 = arith.constant 0 : i32
      %dma_wait3A_219 = arith.constant 0 : i32
      %dma_wait3A_220 = tpu.memref_slice %arg7[%dma_wait3A_216, %dma_wait3A_218, %dma_wait3A_219] : memref<3x64x128xf32, #tpu.memory_space<vmem>> -> memref<1x64x128xf32, #tpu.memory_space<vmem>>
      %dma_wait3A_221 = tpu.memref_squeeze %dma_wait3A_220 : memref<1x64x128xf32, #tpu.memory_space<vmem>> -> memref<64x128xf32, #tpu.memory_space<vmem>>
      %dma_wait3A_222 = arith.constant 0 : i32
      %dma_wait3A_223 = tpu.memref_slice %arg6[%add3A_215, %dma_wait3A_222] : memref<159x128xi32, #tpu.memory_space<vmem>> -> memref<1x64xi32, #tpu.memory_space<vmem>>
      %dma_wait3A_224 = tpu.memref_squeeze %dma_wait3A_223 : memref<1x64xi32, #tpu.memory_space<vmem>> -> memref<64xi32, #tpu.memory_space<vmem>>
      %dma_wait3A_225 = arith.constant 0 : i32
      %dma_wait3A_226 = arith.constant 0 : i32
      %dma_wait3A_227 = tpu.memref_slice %arg2[%dma_wait3A_225, %dma_wait3A_226] : memref<10240x128xf32, #tpu.memory_space<hbm>> -> memref<10240x128xf32, #tpu.memory_space<hbm>>
      %dma_wait3A_228 = tpu.memref_slice %arg9[%dma_wait3A_217] : memref<3x!tpu.dma_semaphore, #tpu.memory_space<semaphore_mem>> -> memref<1x!tpu.dma_semaphore, #tpu.memory_space<semaphore_mem>>
      %dma_wait3A_229 = tpu.memref_squeeze %dma_wait3A_228 : memref<1x!tpu.dma_semaphore, #tpu.memory_space<semaphore_mem>> -> memref<!tpu.dma_semaphore, #tpu.memory_space<semaphore_mem>>
      tpu.wait_indirect_dma semaphore(%dma_wait3A_229 : memref<!tpu.dma_semaphore, #tpu.memory_space<semaphore_mem>>) src(%dma_wait3A_227 : memref<10240x128xf32, #tpu.memory_space<hbm>>) dst(%dma_wait3A_221 : memref<64x128xf32, #tpu.memory_space<vmem>>)
      %dma_start3A_230 = arith.constant 2 : i32
      %dma_start3A_231 = arith.constant 2 : i32
      %dma_start3A_232 = arith.constant 0 : i32
      %dma_start3A_233 = arith.constant 0 : i32
      %dma_start3A_234 = tpu.memref_slice %arg7[%dma_start3A_230, %dma_start3A_232, %dma_start3A_233] : memref<3x64x128xf32, #tpu.memory_space<vmem>> -> memref<1x64x128xf32, #tpu.memory_space<vmem>>
      %dma_start3A_235 = tpu.memref_squeeze %dma_start3A_234 : memref<1x64x128xf32, #tpu.memory_space<vmem>> -> memref<64x128xf32, #tpu.memory_space<vmem>>
      %dma_start3A_236 = arith.constant 64 : i32
      %dma_start3A_237 = tpu.memref_slice %arg6[%add3A_215, %dma_start3A_236] : memref<159x128xi32, #tpu.memory_space<vmem>> -> memref<1x64xi32, #tpu.memory_space<vmem>>
      %dma_start3A_238 = tpu.memref_squeeze %dma_start3A_237 : memref<1x64xi32, #tpu.memory_space<vmem>> -> memref<64xi32, #tpu.memory_space<vmem>>
      %dma_start3A_239 = arith.constant 0 : i32
      %dma_start3A_240 = arith.constant 0 : i32
      %dma_start3A_241 = tpu.memref_slice %arg8[%dma_start3A_239, %dma_start3A_240] : memref<10240x128xf32, #tpu.memory_space<vmem_shared>> -> memref<10240x128xf32, #tpu.memory_space<vmem_shared>>
      %dma_start3A_242 = tpu.memref_slice %arg10[%dma_start3A_231] : memref<3x!tpu.dma_semaphore, #tpu.memory_space<semaphore_mem>> -> memref<1x!tpu.dma_semaphore, #tpu.memory_space<semaphore_mem>>
      %dma_start3A_243 = tpu.memref_squeeze %dma_start3A_242 : memref<1x!tpu.dma_semaphore, #tpu.memory_space<semaphore_mem>> -> memref<!tpu.dma_semaphore, #tpu.memory_space<semaphore_mem>>
      tpu.enqueue_indirect_dma source(%dma_start3A_235 : memref<64x128xf32, #tpu.memory_space<vmem>>) target(%dma_start3A_241 : memref<10240x128xf32, #tpu.memory_space<vmem_shared>>) offsets(%dma_start3A_238 : memref<64xi32, #tpu.memory_space<vmem>>) semaphore(%dma_start3A_243 : memref<!tpu.dma_semaphore, #tpu.memory_space<semaphore_mem>>) {add = true}
      %sub3A = arith.constant 2 : i32
      %sub3A_244 = arith.subi %add3A_215, %sub3A : i32
      %dma_wait3A_245 = arith.constant 0 : i32
      %dma_wait3A_246 = arith.constant 0 : i32
      %dma_wait3A_247 = arith.constant 0 : i32
      %dma_wait3A_248 = arith.constant 0 : i32
      %dma_wait3A_249 = tpu.memref_slice %arg7[%dma_wait3A_245, %dma_wait3A_247, %dma_wait3A_248] : memref<3x64x128xf32, #tpu.memory_space<vmem>> -> memref<1x64x128xf32, #tpu.memory_space<vmem>>
      %dma_wait3A_250 = tpu.memref_squeeze %dma_wait3A_249 : memref<1x64x128xf32, #tpu.memory_space<vmem>> -> memref<64x128xf32, #tpu.memory_space<vmem>>
      %dma_wait3A_251 = arith.constant 64 : i32
      %dma_wait3A_252 = tpu.memref_slice %arg6[%sub3A_244, %dma_wait3A_251] : memref<159x128xi32, #tpu.memory_space<vmem>> -> memref<1x64xi32, #tpu.memory_space<vmem>>
      %dma_wait3A_253 = tpu.memref_squeeze %dma_wait3A_252 : memref<1x64xi32, #tpu.memory_space<vmem>> -> memref<64xi32, #tpu.memory_space<vmem>>
      %dma_wait3A_254 = arith.constant 0 : i32
      %dma_wait3A_255 = arith.constant 0 : i32
      %dma_wait3A_256 = tpu.memref_slice %arg8[%dma_wait3A_254, %dma_wait3A_255] : memref<10240x128xf32, #tpu.memory_space<vmem_shared>> -> memref<10240x128xf32, #tpu.memory_space<vmem_shared>>
      %dma_wait3A_257 = tpu.memref_slice %arg10[%dma_wait3A_246] : memref<3x!tpu.dma_semaphore, #tpu.memory_space<semaphore_mem>> -> memref<1x!tpu.dma_semaphore, #tpu.memory_space<semaphore_mem>>
      %dma_wait3A_258 = tpu.memref_squeeze %dma_wait3A_257 : memref<1x!tpu.dma_semaphore, #tpu.memory_space<semaphore_mem>> -> memref<!tpu.dma_semaphore, #tpu.memory_space<semaphore_mem>>
      tpu.wait_indirect_dma semaphore(%dma_wait3A_258 : memref<!tpu.dma_semaphore, #tpu.memory_space<semaphore_mem>>) src(%dma_wait3A_250 : memref<64x128xf32, #tpu.memory_space<vmem>>) dst(%dma_wait3A_256 : memref<10240x128xf32, #tpu.memory_space<vmem_shared>>)
      %add3A_259 = arith.constant 1 : i32
      %add3A_260 = arith.addi %add3A_215, %add3A_259 : i32
      %dma_start3A_261 = arith.constant 0 : i32
      %dma_start3A_262 = arith.constant 0 : i32
      %dma_start3A_263 = arith.constant 0 : i32
      %dma_start3A_264 = arith.constant 0 : i32
      %dma_start3A_265 = tpu.memref_slice %arg7[%dma_start3A_261, %dma_start3A_263, %dma_start3A_264] : memref<3x64x128xf32, #tpu.memory_space<vmem>> -> memref<1x64x128xf32, #tpu.memory_space<vmem>>
      %dma_start3A_266 = tpu.memref_squeeze %dma_start3A_265 : memref<1x64x128xf32, #tpu.memory_space<vmem>> -> memref<64x128xf32, #tpu.memory_space<vmem>>
      %dma_start3A_267 = arith.constant 0 : i32
      %dma_start3A_268 = tpu.memref_slice %arg6[%add3A_260, %dma_start3A_267] : memref<159x128xi32, #tpu.memory_space<vmem>> -> memref<1x64xi32, #tpu.memory_space<vmem>>
      %dma_start3A_269 = tpu.memref_squeeze %dma_start3A_268 : memref<1x64xi32, #tpu.memory_space<vmem>> -> memref<64xi32, #tpu.memory_space<vmem>>
      %dma_start3A_270 = arith.constant 0 : i32
      %dma_start3A_271 = arith.constant 0 : i32
      %dma_start3A_272 = tpu.memref_slice %arg2[%dma_start3A_270, %dma_start3A_271] : memref<10240x128xf32, #tpu.memory_space<hbm>> -> memref<10240x128xf32, #tpu.memory_space<hbm>>
      %dma_start3A_273 = tpu.memref_slice %arg9[%dma_start3A_262] : memref<3x!tpu.dma_semaphore, #tpu.memory_space<semaphore_mem>> -> memref<1x!tpu.dma_semaphore, #tpu.memory_space<semaphore_mem>>
      %dma_start3A_274 = tpu.memref_squeeze %dma_start3A_273 : memref<1x!tpu.dma_semaphore, #tpu.memory_space<semaphore_mem>> -> memref<!tpu.dma_semaphore, #tpu.memory_space<semaphore_mem>>
      tpu.enqueue_indirect_dma source(%dma_start3A_272 : memref<10240x128xf32, #tpu.memory_space<hbm>>) target(%dma_start3A_266 : memref<64x128xf32, #tpu.memory_space<vmem>>) offsets(%dma_start3A_269 : memref<64xi32, #tpu.memory_space<vmem>>) semaphore(%dma_start3A_274 : memref<!tpu.dma_semaphore, #tpu.memory_space<semaphore_mem>>)
      %mul3A_275 = arith.constant 3 : i32
      %mul3A_276 = arith.muli %add3A_209, %mul3A_275 : i32
      %add3A_277 = arith.constant 2 : i32
      %add3A_278 = arith.addi %add3A_277, %mul3A_276 : i32
      %add3A_279 = arith.constant 1 : i32
      %add3A_280 = arith.addi %add3A_278, %add3A_279 : i32
      %dma_wait3A_281 = arith.constant 0 : i32
      %dma_wait3A_282 = arith.constant 0 : i32
      %dma_wait3A_283 = arith.constant 0 : i32
      %dma_wait3A_284 = arith.constant 0 : i32
      %dma_wait3A_285 = tpu.memref_slice %arg7[%dma_wait3A_281, %dma_wait3A_283, %dma_wait3A_284] : memref<3x64x128xf32, #tpu.memory_space<vmem>> -> memref<1x64x128xf32, #tpu.memory_space<vmem>>
      %dma_wait3A_286 = tpu.memref_squeeze %dma_wait3A_285 : memref<1x64x128xf32, #tpu.memory_space<vmem>> -> memref<64x128xf32, #tpu.memory_space<vmem>>
      %dma_wait3A_287 = arith.constant 0 : i32
      %dma_wait3A_288 = tpu.memref_slice %arg6[%add3A_280, %dma_wait3A_287] : memref<159x128xi32, #tpu.memory_space<vmem>> -> memref<1x64xi32, #tpu.memory_space<vmem>>
      %dma_wait3A_289 = tpu.memref_squeeze %dma_wait3A_288 : memref<1x64xi32, #tpu.memory_space<vmem>> -> memref<64xi32, #tpu.memory_space<vmem>>
      %dma_wait3A_290 = arith.constant 0 : i32
      %dma_wait3A_291 = arith.constant 0 : i32
      %dma_wait3A_292 = tpu.memref_slice %arg2[%dma_wait3A_290, %dma_wait3A_291] : memref<10240x128xf32, #tpu.memory_space<hbm>> -> memref<10240x128xf32, #tpu.memory_space<hbm>>
      %dma_wait3A_293 = tpu.memref_slice %arg9[%dma_wait3A_282] : memref<3x!tpu.dma_semaphore, #tpu.memory_space<semaphore_mem>> -> memref<1x!tpu.dma_semaphore, #tpu.memory_space<semaphore_mem>>
      %dma_wait3A_294 = tpu.memref_squeeze %dma_wait3A_293 : memref<1x!tpu.dma_semaphore, #tpu.memory_space<semaphore_mem>> -> memref<!tpu.dma_semaphore, #tpu.memory_space<semaphore_mem>>
      tpu.wait_indirect_dma semaphore(%dma_wait3A_294 : memref<!tpu.dma_semaphore, #tpu.memory_space<semaphore_mem>>) src(%dma_wait3A_292 : memref<10240x128xf32, #tpu.memory_space<hbm>>) dst(%dma_wait3A_286 : memref<64x128xf32, #tpu.memory_space<vmem>>)
      %dma_start3A_295 = arith.constant 0 : i32
      %dma_start3A_296 = arith.constant 0 : i32
      %dma_start3A_297 = arith.constant 0 : i32
      %dma_start3A_298 = arith.constant 0 : i32
      %dma_start3A_299 = tpu.memref_slice %arg7[%dma_start3A_295, %dma_start3A_297, %dma_start3A_298] : memref<3x64x128xf32, #tpu.memory_space<vmem>> -> memref<1x64x128xf32, #tpu.memory_space<vmem>>
      %dma_start3A_300 = tpu.memref_squeeze %dma_start3A_299 : memref<1x64x128xf32, #tpu.memory_space<vmem>> -> memref<64x128xf32, #tpu.memory_space<vmem>>
      %dma_start3A_301 = arith.constant 64 : i32
      %dma_start3A_302 = tpu.memref_slice %arg6[%add3A_280, %dma_start3A_301] : memref<159x128xi32, #tpu.memory_space<vmem>> -> memref<1x64xi32, #tpu.memory_space<vmem>>
      %dma_start3A_303 = tpu.memref_squeeze %dma_start3A_302 : memref<1x64xi32, #tpu.memory_space<vmem>> -> memref<64xi32, #tpu.memory_space<vmem>>
      %dma_start3A_304 = arith.constant 0 : i32
      %dma_start3A_305 = arith.constant 0 : i32
      %dma_start3A_306 = tpu.memref_slice %arg8[%dma_start3A_304, %dma_start3A_305] : memref<10240x128xf32, #tpu.memory_space<vmem_shared>> -> memref<10240x128xf32, #tpu.memory_space<vmem_shared>>
      %dma_start3A_307 = tpu.memref_slice %arg10[%dma_start3A_296] : memref<3x!tpu.dma_semaphore, #tpu.memory_space<semaphore_mem>> -> memref<1x!tpu.dma_semaphore, #tpu.memory_space<semaphore_mem>>
      %dma_start3A_308 = tpu.memref_squeeze %dma_start3A_307 : memref<1x!tpu.dma_semaphore, #tpu.memory_space<semaphore_mem>> -> memref<!tpu.dma_semaphore, #tpu.memory_space<semaphore_mem>>
      tpu.enqueue_indirect_dma source(%dma_start3A_300 : memref<64x128xf32, #tpu.memory_space<vmem>>) target(%dma_start3A_306 : memref<10240x128xf32, #tpu.memory_space<vmem_shared>>) offsets(%dma_start3A_303 : memref<64xi32, #tpu.memory_space<vmem>>) semaphore(%dma_start3A_308 : memref<!tpu.dma_semaphore, #tpu.memory_space<semaphore_mem>>) {add = true}
      %sub3A_309 = arith.constant 2 : i32
      %sub3A_310 = arith.subi %add3A_280, %sub3A_309 : i32
      %dma_wait3A_311 = arith.constant 1 : i32
      %dma_wait3A_312 = arith.constant 1 : i32
      %dma_wait3A_313 = arith.constant 0 : i32
      %dma_wait3A_314 = arith.constant 0 : i32
      %dma_wait3A_315 = tpu.memref_slice %arg7[%dma_wait3A_311, %dma_wait3A_313, %dma_wait3A_314] : memref<3x64x128xf32, #tpu.memory_space<vmem>> -> memref<1x64x128xf32, #tpu.memory_space<vmem>>
      %dma_wait3A_316 = tpu.memref_squeeze %dma_wait3A_315 : memref<1x64x128xf32, #tpu.memory_space<vmem>> -> memref<64x128xf32, #tpu.memory_space<vmem>>
      %dma_wait3A_317 = arith.constant 64 : i32
      %dma_wait3A_318 = tpu.memref_slice %arg6[%sub3A_310, %dma_wait3A_317] : memref<159x128xi32, #tpu.memory_space<vmem>> -> memref<1x64xi32, #tpu.memory_space<vmem>>
      %dma_wait3A_319 = tpu.memref_squeeze %dma_wait3A_318 : memref<1x64xi32, #tpu.memory_space<vmem>> -> memref<64xi32, #tpu.memory_space<vmem>>
      %dma_wait3A_320 = arith.constant 0 : i32
      %dma_wait3A_321 = arith.constant 0 : i32
      %dma_wait3A_322 = tpu.memref_slice %arg8[%dma_wait3A_320, %dma_wait3A_321] : memref<10240x128xf32, #tpu.memory_space<vmem_shared>> -> memref<10240x128xf32, #tpu.memory_space<vmem_shared>>
      %dma_wait3A_323 = tpu.memref_slice %arg10[%dma_wait3A_312] : memref<3x!tpu.dma_semaphore, #tpu.memory_space<semaphore_mem>> -> memref<1x!tpu.dma_semaphore, #tpu.memory_space<semaphore_mem>>
      %dma_wait3A_324 = tpu.memref_squeeze %dma_wait3A_323 : memref<1x!tpu.dma_semaphore, #tpu.memory_space<semaphore_mem>> -> memref<!tpu.dma_semaphore, #tpu.memory_space<semaphore_mem>>
      tpu.wait_indirect_dma semaphore(%dma_wait3A_324 : memref<!tpu.dma_semaphore, #tpu.memory_space<semaphore_mem>>) src(%dma_wait3A_316 : memref<64x128xf32, #tpu.memory_space<vmem>>) dst(%dma_wait3A_322 : memref<10240x128xf32, #tpu.memory_space<vmem_shared>>)
      %add3A_325 = arith.constant 1 : i32
      %add3A_326 = arith.addi %add3A_280, %add3A_325 : i32
      %dma_start3A_327 = arith.constant 1 : i32
      %dma_start3A_328 = arith.constant 1 : i32
      %dma_start3A_329 = arith.constant 0 : i32
      %dma_start3A_330 = arith.constant 0 : i32
      %dma_start3A_331 = tpu.memref_slice %arg7[%dma_start3A_327, %dma_start3A_329, %dma_start3A_330] : memref<3x64x128xf32, #tpu.memory_space<vmem>> -> memref<1x64x128xf32, #tpu.memory_space<vmem>>
      %dma_start3A_332 = tpu.memref_squeeze %dma_start3A_331 : memref<1x64x128xf32, #tpu.memory_space<vmem>> -> memref<64x128xf32, #tpu.memory_space<vmem>>
      %dma_start3A_333 = arith.constant 0 : i32
      %dma_start3A_334 = tpu.memref_slice %arg6[%add3A_326, %dma_start3A_333] : memref<159x128xi32, #tpu.memory_space<vmem>> -> memref<1x64xi32, #tpu.memory_space<vmem>>
      %dma_start3A_335 = tpu.memref_squeeze %dma_start3A_334 : memref<1x64xi32, #tpu.memory_space<vmem>> -> memref<64xi32, #tpu.memory_space<vmem>>
      %dma_start3A_336 = arith.constant 0 : i32
      %dma_start3A_337 = arith.constant 0 : i32
      %dma_start3A_338 = tpu.memref_slice %arg2[%dma_start3A_336, %dma_start3A_337] : memref<10240x128xf32, #tpu.memory_space<hbm>> -> memref<10240x128xf32, #tpu.memory_space<hbm>>
      %dma_start3A_339 = tpu.memref_slice %arg9[%dma_start3A_328] : memref<3x!tpu.dma_semaphore, #tpu.memory_space<semaphore_mem>> -> memref<1x!tpu.dma_semaphore, #tpu.memory_space<semaphore_mem>>
      %dma_start3A_340 = tpu.memref_squeeze %dma_start3A_339 : memref<1x!tpu.dma_semaphore, #tpu.memory_space<semaphore_mem>> -> memref<!tpu.dma_semaphore, #tpu.memory_space<semaphore_mem>>
      tpu.enqueue_indirect_dma source(%dma_start3A_338 : memref<10240x128xf32, #tpu.memory_space<hbm>>) target(%dma_start3A_332 : memref<64x128xf32, #tpu.memory_space<vmem>>) offsets(%dma_start3A_335 : memref<64xi32, #tpu.memory_space<vmem>>) semaphore(%dma_start3A_340 : memref<!tpu.dma_semaphore, #tpu.memory_space<semaphore_mem>>)
      %mul3A_341 = arith.constant 3 : i32
      %mul3A_342 = arith.muli %add3A_209, %mul3A_341 : i32
      %add3A_343 = arith.constant 2 : i32
      %add3A_344 = arith.addi %add3A_343, %mul3A_342 : i32
      %add3A_345 = arith.constant 2 : i32
      %add3A_346 = arith.addi %add3A_344, %add3A_345 : i32
      %dma_wait3A_347 = arith.constant 1 : i32
      %dma_wait3A_348 = arith.constant 1 : i32
      %dma_wait3A_349 = arith.constant 0 : i32
      %dma_wait3A_350 = arith.constant 0 : i32
      %dma_wait3A_351 = tpu.memref_slice %arg7[%dma_wait3A_347, %dma_wait3A_349, %dma_wait3A_350] : memref<3x64x128xf32, #tpu.memory_space<vmem>> -> memref<1x64x128xf32, #tpu.memory_space<vmem>>
      %dma_wait3A_352 = tpu.memref_squeeze %dma_wait3A_351 : memref<1x64x128xf32, #tpu.memory_space<vmem>> -> memref<64x128xf32, #tpu.memory_space<vmem>>
      %dma_wait3A_353 = arith.constant 0 : i32
      %dma_wait3A_354 = tpu.memref_slice %arg6[%add3A_346, %dma_wait3A_353] : memref<159x128xi32, #tpu.memory_space<vmem>> -> memref<1x64xi32, #tpu.memory_space<vmem>>
      %dma_wait3A_355 = tpu.memref_squeeze %dma_wait3A_354 : memref<1x64xi32, #tpu.memory_space<vmem>> -> memref<64xi32, #tpu.memory_space<vmem>>
      %dma_wait3A_356 = arith.constant 0 : i32
      %dma_wait3A_357 = arith.constant 0 : i32
      %dma_wait3A_358 = tpu.memref_slice %arg2[%dma_wait3A_356, %dma_wait3A_357] : memref<10240x128xf32, #tpu.memory_space<hbm>> -> memref<10240x128xf32, #tpu.memory_space<hbm>>
      %dma_wait3A_359 = tpu.memref_slice %arg9[%dma_wait3A_348] : memref<3x!tpu.dma_semaphore, #tpu.memory_space<semaphore_mem>> -> memref<1x!tpu.dma_semaphore, #tpu.memory_space<semaphore_mem>>
      %dma_wait3A_360 = tpu.memref_squeeze %dma_wait3A_359 : memref<1x!tpu.dma_semaphore, #tpu.memory_space<semaphore_mem>> -> memref<!tpu.dma_semaphore, #tpu.memory_space<semaphore_mem>>
      tpu.wait_indirect_dma semaphore(%dma_wait3A_360 : memref<!tpu.dma_semaphore, #tpu.memory_space<semaphore_mem>>) src(%dma_wait3A_358 : memref<10240x128xf32, #tpu.memory_space<hbm>>) dst(%dma_wait3A_352 : memref<64x128xf32, #tpu.memory_space<vmem>>)
      %dma_start3A_361 = arith.constant 1 : i32
      %dma_start3A_362 = arith.constant 1 : i32
      %dma_start3A_363 = arith.constant 0 : i32
      %dma_start3A_364 = arith.constant 0 : i32
      %dma_start3A_365 = tpu.memref_slice %arg7[%dma_start3A_361, %dma_start3A_363, %dma_start3A_364] : memref<3x64x128xf32, #tpu.memory_space<vmem>> -> memref<1x64x128xf32, #tpu.memory_space<vmem>>
      %dma_start3A_366 = tpu.memref_squeeze %dma_start3A_365 : memref<1x64x128xf32, #tpu.memory_space<vmem>> -> memref<64x128xf32, #tpu.memory_space<vmem>>
      %dma_start3A_367 = arith.constant 64 : i32
      %dma_start3A_368 = tpu.memref_slice %arg6[%add3A_346, %dma_start3A_367] : memref<159x128xi32, #tpu.memory_space<vmem>> -> memref<1x64xi32, #tpu.memory_space<vmem>>
      %dma_start3A_369 = tpu.memref_squeeze %dma_start3A_368 : memref<1x64xi32, #tpu.memory_space<vmem>> -> memref<64xi32, #tpu.memory_space<vmem>>
      %dma_start3A_370 = arith.constant 0 : i32
      %dma_start3A_371 = arith.constant 0 : i32
      %dma_start3A_372 = tpu.memref_slice %arg8[%dma_start3A_370, %dma_start3A_371] : memref<10240x128xf32, #tpu.memory_space<vmem_shared>> -> memref<10240x128xf32, #tpu.memory_space<vmem_shared>>
      %dma_start3A_373 = tpu.memref_slice %arg10[%dma_start3A_362] : memref<3x!tpu.dma_semaphore, #tpu.memory_space<semaphore_mem>> -> memref<1x!tpu.dma_semaphore, #tpu.memory_space<semaphore_mem>>
      %dma_start3A_374 = tpu.memref_squeeze %dma_start3A_373 : memref<1x!tpu.dma_semaphore, #tpu.memory_space<semaphore_mem>> -> memref<!tpu.dma_semaphore, #tpu.memory_space<semaphore_mem>>
      tpu.enqueue_indirect_dma source(%dma_start3A_366 : memref<64x128xf32, #tpu.memory_space<vmem>>) target(%dma_start3A_372 : memref<10240x128xf32, #tpu.memory_space<vmem_shared>>) offsets(%dma_start3A_369 : memref<64xi32, #tpu.memory_space<vmem>>) semaphore(%dma_start3A_374 : memref<!tpu.dma_semaphore, #tpu.memory_space<semaphore_mem>>) {add = true}
      %sub3A_375 = arith.constant 2 : i32
      %sub3A_376 = arith.subi %add3A_346, %sub3A_375 : i32
      %dma_wait3A_377 = arith.constant 2 : i32
      %dma_wait3A_378 = arith.constant 2 : i32
      %dma_wait3A_379 = arith.constant 0 : i32
      %dma_wait3A_380 = arith.constant 0 : i32
      %dma_wait3A_381 = tpu.memref_slice %arg7[%dma_wait3A_377, %dma_wait3A_379, %dma_wait3A_380] : memref<3x64x128xf32, #tpu.memory_space<vmem>> -> memref<1x64x128xf32, #tpu.memory_space<vmem>>
      %dma_wait3A_382 = tpu.memref_squeeze %dma_wait3A_381 : memref<1x64x128xf32, #tpu.memory_space<vmem>> -> memref<64x128xf32, #tpu.memory_space<vmem>>
      %dma_wait3A_383 = arith.constant 64 : i32
      %dma_wait3A_384 = tpu.memref_slice %arg6[%sub3A_376, %dma_wait3A_383] : memref<159x128xi32, #tpu.memory_space<vmem>> -> memref<1x64xi32, #tpu.memory_space<vmem>>
      %dma_wait3A_385 = tpu.memref_squeeze %dma_wait3A_384 : memref<1x64xi32, #tpu.memory_space<vmem>> -> memref<64xi32, #tpu.memory_space<vmem>>
      %dma_wait3A_386 = arith.constant 0 : i32
      %dma_wait3A_387 = arith.constant 0 : i32
      %dma_wait3A_388 = tpu.memref_slice %arg8[%dma_wait3A_386, %dma_wait3A_387] : memref<10240x128xf32, #tpu.memory_space<vmem_shared>> -> memref<10240x128xf32, #tpu.memory_space<vmem_shared>>
      %dma_wait3A_389 = tpu.memref_slice %arg10[%dma_wait3A_378] : memref<3x!tpu.dma_semaphore, #tpu.memory_space<semaphore_mem>> -> memref<1x!tpu.dma_semaphore, #tpu.memory_space<semaphore_mem>>
      %dma_wait3A_390 = tpu.memref_squeeze %dma_wait3A_389 : memref<1x!tpu.dma_semaphore, #tpu.memory_space<semaphore_mem>> -> memref<!tpu.dma_semaphore, #tpu.memory_space<semaphore_mem>>
      tpu.wait_indirect_dma semaphore(%dma_wait3A_390 : memref<!tpu.dma_semaphore, #tpu.memory_space<semaphore_mem>>) src(%dma_wait3A_382 : memref<64x128xf32, #tpu.memory_space<vmem>>) dst(%dma_wait3A_388 : memref<10240x128xf32, #tpu.memory_space<vmem_shared>>)
      %add3A_391 = arith.constant 1 : i32
      %add3A_392 = arith.addi %add3A_346, %add3A_391 : i32
      %dma_start3A_393 = arith.constant 2 : i32
      %dma_start3A_394 = arith.constant 2 : i32
      %dma_start3A_395 = arith.constant 0 : i32
      %dma_start3A_396 = arith.constant 0 : i32
      %dma_start3A_397 = tpu.memref_slice %arg7[%dma_start3A_393, %dma_start3A_395, %dma_start3A_396] : memref<3x64x128xf32, #tpu.memory_space<vmem>> -> memref<1x64x128xf32, #tpu.memory_space<vmem>>
      %dma_start3A_398 = tpu.memref_squeeze %dma_start3A_397 : memref<1x64x128xf32, #tpu.memory_space<vmem>> -> memref<64x128xf32, #tpu.memory_space<vmem>>
      %dma_start3A_399 = arith.constant 0 : i32
      %dma_start3A_400 = tpu.memref_slice %arg6[%add3A_392, %dma_start3A_399] : memref<159x128xi32, #tpu.memory_space<vmem>> -> memref<1x64xi32, #tpu.memory_space<vmem>>
      %dma_start3A_401 = tpu.memref_squeeze %dma_start3A_400 : memref<1x64xi32, #tpu.memory_space<vmem>> -> memref<64xi32, #tpu.memory_space<vmem>>
      %dma_start3A_402 = arith.constant 0 : i32
      %dma_start3A_403 = arith.constant 0 : i32
      %dma_start3A_404 = tpu.memref_slice %arg2[%dma_start3A_402, %dma_start3A_403] : memref<10240x128xf32, #tpu.memory_space<hbm>> -> memref<10240x128xf32, #tpu.memory_space<hbm>>
      %dma_start3A_405 = tpu.memref_slice %arg9[%dma_start3A_394] : memref<3x!tpu.dma_semaphore, #tpu.memory_space<semaphore_mem>> -> memref<1x!tpu.dma_semaphore, #tpu.memory_space<semaphore_mem>>
      %dma_start3A_406 = tpu.memref_squeeze %dma_start3A_405 : memref<1x!tpu.dma_semaphore, #tpu.memory_space<semaphore_mem>> -> memref<!tpu.dma_semaphore, #tpu.memory_space<semaphore_mem>>
      tpu.enqueue_indirect_dma source(%dma_start3A_404 : memref<10240x128xf32, #tpu.memory_space<hbm>>) target(%dma_start3A_398 : memref<64x128xf32, #tpu.memory_space<vmem>>) offsets(%dma_start3A_401 : memref<64xi32, #tpu.memory_space<vmem>>) semaphore(%dma_start3A_406 : memref<!tpu.dma_semaphore, #tpu.memory_space<semaphore_mem>>)
    }
    %scan3A_125 = arith.constant 52 : i32
    %dma_wait3A_126 = arith.constant 158 : i32
    %dma_wait3A_127 = arith.constant 2 : i32
    %dma_wait3A_128 = arith.constant 2 : i32
    %dma_wait3A_129 = arith.constant 0 : i32
    %dma_wait3A_130 = arith.constant 0 : i32
    %dma_wait3A_131 = tpu.memref_slice %arg7[%dma_wait3A_127, %dma_wait3A_129, %dma_wait3A_130] : memref<3x64x128xf32, #tpu.memory_space<vmem>> -> memref<1x64x128xf32, #tpu.memory_space<vmem>>
    %dma_wait3A_132 = tpu.memref_squeeze %dma_wait3A_131 : memref<1x64x128xf32, #tpu.memory_space<vmem>> -> memref<64x128xf32, #tpu.memory_space<vmem>>
    %dma_wait3A_133 = arith.constant 0 : i32
    %dma_wait3A_134 = tpu.memref_slice %arg6[%dma_wait3A_126, %dma_wait3A_133] : memref<159x128xi32, #tpu.memory_space<vmem>> -> memref<1x64xi32, #tpu.memory_space<vmem>>
    %dma_wait3A_135 = tpu.memref_squeeze %dma_wait3A_134 : memref<1x64xi32, #tpu.memory_space<vmem>> -> memref<64xi32, #tpu.memory_space<vmem>>
    %dma_wait3A_136 = arith.constant 0 : i32
    %dma_wait3A_137 = arith.constant 0 : i32
    %dma_wait3A_138 = tpu.memref_slice %arg2[%dma_wait3A_136, %dma_wait3A_137] : memref<10240x128xf32, #tpu.memory_space<hbm>> -> memref<10240x128xf32, #tpu.memory_space<hbm>>
    %dma_wait3A_139 = tpu.memref_slice %arg9[%dma_wait3A_128] : memref<3x!tpu.dma_semaphore, #tpu.memory_space<semaphore_mem>> -> memref<1x!tpu.dma_semaphore, #tpu.memory_space<semaphore_mem>>
    %dma_wait3A_140 = tpu.memref_squeeze %dma_wait3A_139 : memref<1x!tpu.dma_semaphore, #tpu.memory_space<semaphore_mem>> -> memref<!tpu.dma_semaphore, #tpu.memory_space<semaphore_mem>>
    tpu.wait_indirect_dma semaphore(%dma_wait3A_140 : memref<!tpu.dma_semaphore, #tpu.memory_space<semaphore_mem>>) src(%dma_wait3A_138 : memref<10240x128xf32, #tpu.memory_space<hbm>>) dst(%dma_wait3A_132 : memref<64x128xf32, #tpu.memory_space<vmem>>)
    %dma_start3A_141 = arith.constant 2 : i32
    %dma_start3A_142 = arith.constant 158 : i32
    %dma_start3A_143 = arith.constant 2 : i32
    %dma_start3A_144 = arith.constant 0 : i32
    %dma_start3A_145 = arith.constant 0 : i32
    %dma_start3A_146 = tpu.memref_slice %arg7[%dma_start3A_141, %dma_start3A_144, %dma_start3A_145] : memref<3x64x128xf32, #tpu.memory_space<vmem>> -> memref<1x64x128xf32, #tpu.memory_space<vmem>>
    %dma_start3A_147 = tpu.memref_squeeze %dma_start3A_146 : memref<1x64x128xf32, #tpu.memory_space<vmem>> -> memref<64x128xf32, #tpu.memory_space<vmem>>
    %dma_start3A_148 = arith.constant 64 : i32
    %dma_start3A_149 = tpu.memref_slice %arg6[%dma_start3A_142, %dma_start3A_148] : memref<159x128xi32, #tpu.memory_space<vmem>> -> memref<1x64xi32, #tpu.memory_space<vmem>>
    %dma_start3A_150 = tpu.memref_squeeze %dma_start3A_149 : memref<1x64xi32, #tpu.memory_space<vmem>> -> memref<64xi32, #tpu.memory_space<vmem>>
    %dma_start3A_151 = arith.constant 0 : i32
    %dma_start3A_152 = arith.constant 0 : i32
    %dma_start3A_153 = tpu.memref_slice %arg8[%dma_start3A_151, %dma_start3A_152] : memref<10240x128xf32, #tpu.memory_space<vmem_shared>> -> memref<10240x128xf32, #tpu.memory_space<vmem_shared>>
    %dma_start3A_154 = tpu.memref_slice %arg10[%dma_start3A_143] : memref<3x!tpu.dma_semaphore, #tpu.memory_space<semaphore_mem>> -> memref<1x!tpu.dma_semaphore, #tpu.memory_space<semaphore_mem>>
    %dma_start3A_155 = tpu.memref_squeeze %dma_start3A_154 : memref<1x!tpu.dma_semaphore, #tpu.memory_space<semaphore_mem>> -> memref<!tpu.dma_semaphore, #tpu.memory_space<semaphore_mem>>
    tpu.enqueue_indirect_dma source(%dma_start3A_147 : memref<64x128xf32, #tpu.memory_space<vmem>>) target(%dma_start3A_153 : memref<10240x128xf32, #tpu.memory_space<vmem_shared>>) offsets(%dma_start3A_150 : memref<64xi32, #tpu.memory_space<vmem>>) semaphore(%dma_start3A_155 : memref<!tpu.dma_semaphore, #tpu.memory_space<semaphore_mem>>) {add = true}
    %dma_wait3A_156 = arith.constant 0 : i32
    %dma_wait3A_157 = arith.constant 0 : i32
    %dma_wait3A_158 = arith.constant 0 : i32
    %dma_wait3A_159 = arith.constant 0 : i32
    %dma_wait3A_160 = arith.constant 0 : i32
    %dma_wait3A_161 = tpu.memref_slice %arg7[%dma_wait3A_156, %dma_wait3A_159, %dma_wait3A_160] : memref<3x64x128xf32, #tpu.memory_space<vmem>> -> memref<1x64x128xf32, #tpu.memory_space<vmem>>
    %dma_wait3A_162 = tpu.memref_squeeze %dma_wait3A_161 : memref<1x64x128xf32, #tpu.memory_space<vmem>> -> memref<64x128xf32, #tpu.memory_space<vmem>>
    %dma_wait3A_163 = arith.constant 64 : i32
    %dma_wait3A_164 = tpu.memref_slice %arg6[%dma_wait3A_157, %dma_wait3A_163] : memref<159x128xi32, #tpu.memory_space<vmem>> -> memref<1x64xi32, #tpu.memory_space<vmem>>
    %dma_wait3A_165 = tpu.memref_squeeze %dma_wait3A_164 : memref<1x64xi32, #tpu.memory_space<vmem>> -> memref<64xi32, #tpu.memory_space<vmem>>
    %dma_wait3A_166 = arith.constant 0 : i32
    %dma_wait3A_167 = arith.constant 0 : i32
    %dma_wait3A_168 = tpu.memref_slice %arg8[%dma_wait3A_166, %dma_wait3A_167] : memref<10240x128xf32, #tpu.memory_space<vmem_shared>> -> memref<10240x128xf32, #tpu.memory_space<vmem_shared>>
    %dma_wait3A_169 = tpu.memref_slice %arg10[%dma_wait3A_158] : memref<3x!tpu.dma_semaphore, #tpu.memory_space<semaphore_mem>> -> memref<1x!tpu.dma_semaphore, #tpu.memory_space<semaphore_mem>>
    %dma_wait3A_170 = tpu.memref_squeeze %dma_wait3A_169 : memref<1x!tpu.dma_semaphore, #tpu.memory_space<semaphore_mem>> -> memref<!tpu.dma_semaphore, #tpu.memory_space<semaphore_mem>>
    tpu.wait_indirect_dma semaphore(%dma_wait3A_170 : memref<!tpu.dma_semaphore, #tpu.memory_space<semaphore_mem>>) src(%dma_wait3A_162 : memref<64x128xf32, #tpu.memory_space<vmem>>) dst(%dma_wait3A_168 : memref<10240x128xf32, #tpu.memory_space<vmem_shared>>)
    %dma_wait3A_171 = arith.constant 1 : i32
    %dma_wait3A_172 = arith.constant 0 : i32
    %dma_wait3A_173 = arith.constant 1 : i32
    %dma_wait3A_174 = arith.constant 0 : i32
    %dma_wait3A_175 = arith.constant 0 : i32
    %dma_wait3A_176 = tpu.memref_slice %arg7[%dma_wait3A_171, %dma_wait3A_174, %dma_wait3A_175] : memref<3x64x128xf32, #tpu.memory_space<vmem>> -> memref<1x64x128xf32, #tpu.memory_space<vmem>>
    %dma_wait3A_177 = tpu.memref_squeeze %dma_wait3A_176 : memref<1x64x128xf32, #tpu.memory_space<vmem>> -> memref<64x128xf32, #tpu.memory_space<vmem>>
    %dma_wait3A_178 = arith.constant 64 : i32
    %dma_wait3A_179 = tpu.memref_slice %arg6[%dma_wait3A_172, %dma_wait3A_178] : memref<159x128xi32, #tpu.memory_space<vmem>> -> memref<1x64xi32, #tpu.memory_space<vmem>>
    %dma_wait3A_180 = tpu.memref_squeeze %dma_wait3A_179 : memref<1x64xi32, #tpu.memory_space<vmem>> -> memref<64xi32, #tpu.memory_space<vmem>>
    %dma_wait3A_181 = arith.constant 0 : i32
    %dma_wait3A_182 = arith.constant 0 : i32
    %dma_wait3A_183 = tpu.memref_slice %arg8[%dma_wait3A_181, %dma_wait3A_182] : memref<10240x128xf32, #tpu.memory_space<vmem_shared>> -> memref<10240x128xf32, #tpu.memory_space<vmem_shared>>
    %dma_wait3A_184 = tpu.memref_slice %arg10[%dma_wait3A_173] : memref<3x!tpu.dma_semaphore, #tpu.memory_space<semaphore_mem>> -> memref<1x!tpu.dma_semaphore, #tpu.memory_space<semaphore_mem>>
    %dma_wait3A_185 = tpu.memref_squeeze %dma_wait3A_184 : memref<1x!tpu.dma_semaphore, #tpu.memory_space<semaphore_mem>> -> memref<!tpu.dma_semaphore, #tpu.memory_space<semaphore_mem>>
    tpu.wait_indirect_dma semaphore(%dma_wait3A_185 : memref<!tpu.dma_semaphore, #tpu.memory_space<semaphore_mem>>) src(%dma_wait3A_177 : memref<64x128xf32, #tpu.memory_space<vmem>>) dst(%dma_wait3A_183 : memref<10240x128xf32, #tpu.memory_space<vmem_shared>>)
    %dma_wait3A_186 = arith.constant 2 : i32
    %dma_wait3A_187 = arith.constant 0 : i32
    %dma_wait3A_188 = arith.constant 2 : i32
    %dma_wait3A_189 = arith.constant 0 : i32
    %dma_wait3A_190 = arith.constant 0 : i32
    %dma_wait3A_191 = tpu.memref_slice %arg7[%dma_wait3A_186, %dma_wait3A_189, %dma_wait3A_190] : memref<3x64x128xf32, #tpu.memory_space<vmem>> -> memref<1x64x128xf32, #tpu.memory_space<vmem>>
    %dma_wait3A_192 = tpu.memref_squeeze %dma_wait3A_191 : memref<1x64x128xf32, #tpu.memory_space<vmem>> -> memref<64x128xf32, #tpu.memory_space<vmem>>
    %dma_wait3A_193 = arith.constant 64 : i32
    %dma_wait3A_194 = tpu.memref_slice %arg6[%dma_wait3A_187, %dma_wait3A_193] : memref<159x128xi32, #tpu.memory_space<vmem>> -> memref<1x64xi32, #tpu.memory_space<vmem>>
    %dma_wait3A_195 = tpu.memref_squeeze %dma_wait3A_194 : memref<1x64xi32, #tpu.memory_space<vmem>> -> memref<64xi32, #tpu.memory_space<vmem>>
    %dma_wait3A_196 = arith.constant 0 : i32
    %dma_wait3A_197 = arith.constant 0 : i32
    %dma_wait3A_198 = tpu.memref_slice %arg8[%dma_wait3A_196, %dma_wait3A_197] : memref<10240x128xf32, #tpu.memory_space<vmem_shared>> -> memref<10240x128xf32, #tpu.memory_space<vmem_shared>>
    %dma_wait3A_199 = tpu.memref_slice %arg10[%dma_wait3A_188] : memref<3x!tpu.dma_semaphore, #tpu.memory_space<semaphore_mem>> -> memref<1x!tpu.dma_semaphore, #tpu.memory_space<semaphore_mem>>
    %dma_wait3A_200 = tpu.memref_squeeze %dma_wait3A_199 : memref<1x!tpu.dma_semaphore, #tpu.memory_space<semaphore_mem>> -> memref<!tpu.dma_semaphore, #tpu.memory_space<semaphore_mem>>
    tpu.wait_indirect_dma semaphore(%dma_wait3A_200 : memref<!tpu.dma_semaphore, #tpu.memory_space<semaphore_mem>>) src(%dma_wait3A_192 : memref<64x128xf32, #tpu.memory_space<vmem>>) dst(%dma_wait3A_198 : memref<10240x128xf32, #tpu.memory_space<vmem_shared>>)
    %barrier3A_201 = arith.constant 0 : index
    tpu.barrier barrier_id(%barrier3A_201)
    %mul3A_202 = arith.constant 10240 : i32
    %mul3A_203 = arith.muli %arg0, %mul3A_202 : i32
    %add3A_204 = arith.addi %mul3A_203, %mul3A_2 : i32
    "tpu.region"() ({
      %run_scoped3A = tpu.sem_alloc : memref<!tpu.dma_semaphore, #tpu.memory_space<semaphore_mem>>
      %dma_start3A_205 = arith.constant 0 : i32
      %dma_start3A_206 = tpu.memref_slice %arg5[%add3A_204, %dma_start3A_205] : memref<20480x128xf32, #tpu.memory_space<hbm>> -> memref<640x128xf32, #tpu.memory_space<hbm>>
      %dma_start3A_207 = arith.constant 0 : i32
      %dma_start3A_208 = tpu.memref_slice %arg8[%mul3A_2, %dma_start3A_207] : memref<10240x128xf32, #tpu.memory_space<vmem_shared>> -> memref<640x128xf32, #tpu.memory_space<vmem_shared>>
      tpu.enqueue_dma source(%dma_start3A_208 : memref<640x128xf32, #tpu.memory_space<vmem_shared>>) target(%dma_start3A_206 : memref<640x128xf32, #tpu.memory_space<hbm>>) target_semaphore(%run_scoped3A : memref<!tpu.dma_semaphore, #tpu.memory_space<semaphore_mem>>)
      %dma_wait3A_209 = arith.constant 0 : i32
      %dma_wait3A_210 = tpu.memref_slice %arg5[%add3A_204, %dma_wait3A_209] : memref<20480x128xf32, #tpu.memory_space<hbm>> -> memref<640x128xf32, #tpu.memory_space<hbm>>
      %dma_wait3A_211 = arith.constant 0 : i32
      %dma_wait3A_212 = tpu.memref_slice %arg8[%mul3A_2, %dma_wait3A_211] : memref<10240x128xf32, #tpu.memory_space<vmem_shared>> -> memref<640x128xf32, #tpu.memory_space<vmem_shared>>
      tpu.wait_dma2 semaphore(%run_scoped3A : memref<!tpu.dma_semaphore, #tpu.memory_space<semaphore_mem>>) src(%dma_wait3A_212 : memref<640x128xf32, #tpu.memory_space<vmem_shared>>) dst(%dma_wait3A_210 : memref<640x128xf32, #tpu.memory_space<hbm>>)
      tpu.yield
    }) : () -> ()
    return
  }
}

#map = affine_map<(d0, d1) -> (0)>
#map1 = affine_map<(d0, d1) -> (0, 0)>
module attributes {stable_mosaic.version = 14 : i64} {
  func.func @k(%arg0: i32, %arg1: i32, %arg2: memref<325632xi32, #tpu.memory_space<hbm>>, %arg3: memref<32x10240xf32, #tpu.memory_space<hbm>>, %arg4: memref<10176xi32, #tpu.memory_space<vmem>>, %arg5: memref<10240xf32, #tpu.memory_space<vmem>>) attributes {dimension_semantics = [#tpu.dimension_semantics<core_parallel>, #tpu.dimension_semantics<subcore_parallel>], iteration_bounds = array<i64: 2, 16>, scalar_prefetch = 0 : i64, scratch_operands = 2 : i64, tpu.core_type = #tpu.core_type<sc_vector_subcore>, window_params = [{transform_indices = #map}, {transform_indices = #map1}]} {
    %mul3A = arith.constant 2 : i32
    %mul3A_0 = arith.muli %arg1, %mul3A : i32
    %add3A = arith.addi %mul3A_0, %arg0 : i32
    %broadcast_in_dim3A = arith.constant 0.000000e+00 : f32
    %broadcast_in_dim3A_1 = vector.broadcast %broadcast_in_dim3A : f32 to vector<16xf32>
    %scan3A = arith.constant 0 : i32
    %scan3A_2 = arith.constant 640 : i32
    %scan3A_3 = arith.addi %scan3A, %scan3A_2 : i32
    %scan3A_4 = arith.constant 1 : i32
    scf.for %scan3A_15 = %scan3A to %scan3A_3 step %scan3A_4  : i32 {
      %mul3A_16 = arith.constant 1 : i32
      %mul3A_17 = arith.muli %scan3A_15, %mul3A_16 : i32
      %add3A_18 = arith.constant 0 : i32
      %add3A_19 = arith.addi %add3A_18, %mul3A_17 : i32
      %mul3A_20 = arith.constant 16 : i32
      %mul3A_21 = arith.muli %add3A_19, %mul3A_20 : i32
      %swap3A = arith.index_cast %mul3A_21 : i32 to index
      %swap3A_22 = tpu.vector_load %arg5[%swap3A] {strides = array<i32>} : memref<10240xf32, #tpu.memory_space<vmem>>, vector<16xf32>,
      tpu.vector_store %arg5[%swap3A], %broadcast_in_dim3A_1 {strides = array<i32>} : memref<10240xf32, #tpu.memory_space<vmem>>, vector<16xf32>,
    }
    %scan3A_5 = arith.constant 640 : i32
    %mul3A_6 = arith.constant 10176 : i32
    %mul3A_7 = arith.muli %add3A, %mul3A_6 : i32
    "tpu.region"() ({
      %run_scoped3A = tpu.sem_alloc : memref<!tpu.dma_semaphore, #tpu.memory_space<semaphore_mem>>
      %dma_start3A = tpu.memref_slice %arg2[%mul3A_7] : memref<325632xi32, #tpu.memory_space<hbm>> -> memref<10176xi32, #tpu.memory_space<hbm>>
      %dma_start3A_15 = tpu.memref_slice %arg2[%mul3A_7] : memref<325632xi32, #tpu.memory_space<hbm>> -> memref<10176xi32, #tpu.memory_space<hbm>>
      tpu.enqueue_dma source(%dma_start3A_15 : memref<10176xi32, #tpu.memory_space<hbm>>) target(%arg4 : memref<10176xi32, #tpu.memory_space<vmem>>) target_semaphore(%run_scoped3A : memref<!tpu.dma_semaphore, #tpu.memory_space<semaphore_mem>>)
      %dma_wait3A = tpu.memref_slice %arg2[%mul3A_7] : memref<325632xi32, #tpu.memory_space<hbm>> -> memref<10176xi32, #tpu.memory_space<hbm>>
      %dma_wait3A_16 = tpu.memref_slice %arg2[%mul3A_7] : memref<325632xi32, #tpu.memory_space<hbm>> -> memref<10176xi32, #tpu.memory_space<hbm>>
      tpu.wait_dma2 semaphore(%run_scoped3A : memref<!tpu.dma_semaphore, #tpu.memory_space<semaphore_mem>>) src(%dma_wait3A_16 : memref<10176xi32, #tpu.memory_space<hbm>>) dst(%arg4 : memref<10176xi32, #tpu.memory_space<vmem>>)
      tpu.yield
    }) : () -> ()
    %broadcast_in_dim3A_8 = arith.constant 1.000000e+00 : f32
    %broadcast_in_dim3A_9 = vector.broadcast %broadcast_in_dim3A_8 : f32 to vector<16xf32>
    %scan3A_10 = arith.constant 0 : i32
    %scan3A_11 = arith.constant 636 : i32
    %scan3A_12 = arith.addi %scan3A_10, %scan3A_11 : i32
    %scan3A_13 = arith.constant 1 : i32
    scf.for %scan3A_15 = %scan3A_10 to %scan3A_12 step %scan3A_13  : i32 {
      %mul3A_16 = arith.constant 1 : i32
      %mul3A_17 = arith.muli %scan3A_15, %mul3A_16 : i32
      %add3A_18 = arith.constant 0 : i32
      %add3A_19 = arith.addi %add3A_18, %mul3A_17 : i32
      %mul3A_20 = arith.constant 16 : i32
      %mul3A_21 = arith.muli %add3A_19, %mul3A_20 : i32
      %get3A = arith.index_cast %mul3A_21 : i32 to index
      %get3A_22 = tpu.vector_load %arg4[%get3A] {strides = array<i32>} : memref<10176xi32, #tpu.memory_space<vmem>>, vector<16xi32>,
      tpu.vector_store_idx %arg5[%get3A_22], %broadcast_in_dim3A_9 {add = true} : memref<10240xf32, #tpu.memory_space<vmem>>[vector<16xi32>], vector<16xf32>,
    }
    %scan3A_14 = arith.constant 636 : i32
    "tpu.region"() ({
      %run_scoped3A = tpu.sem_alloc : memref<!tpu.dma_semaphore, #tpu.memory_space<semaphore_mem>>
      %dma_start3A = arith.constant 0 : i32
      %dma_start3A_15 = tpu.memref_slice %arg3[%add3A, %dma_start3A] : memref<32x10240xf32, #tpu.memory_space<hbm>> -> memref<1x10240xf32, #tpu.memory_space<hbm>>
      %dma_start3A_16 = tpu.memref_squeeze %dma_start3A_15 : memref<1x10240xf32, #tpu.memory_space<hbm>> -> memref<10240xf32, #tpu.memory_space<hbm>>
      %dma_start3A_17 = arith.constant 0 : i32
      %dma_start3A_18 = tpu.memref_slice %arg3[%add3A, %dma_start3A_17] : memref<32x10240xf32, #tpu.memory_space<hbm>> -> memref<1x10240xf32, #tpu.memory_space<hbm>>
      %dma_start3A_19 = tpu.memref_squeeze %dma_start3A_18 : memref<1x10240xf32, #tpu.memory_space<hbm>> -> memref<10240xf32, #tpu.memory_space<hbm>>
      tpu.enqueue_dma source(%arg5 : memref<10240xf32, #tpu.memory_space<vmem>>) target(%dma_start3A_19 : memref<10240xf32, #tpu.memory_space<hbm>>) target_semaphore(%run_scoped3A : memref<!tpu.dma_semaphore, #tpu.memory_space<semaphore_mem>>)
      %dma_wait3A = arith.constant 0 : i32
      %dma_wait3A_20 = tpu.memref_slice %arg3[%add3A, %dma_wait3A] : memref<32x10240xf32, #tpu.memory_space<hbm>> -> memref<1x10240xf32, #tpu.memory_space<hbm>>
      %dma_wait3A_21 = tpu.memref_squeeze %dma_wait3A_20 : memref<1x10240xf32, #tpu.memory_space<hbm>> -> memref<10240xf32, #tpu.memory_space<hbm>>
      %dma_wait3A_22 = arith.constant 0 : i32
      %dma_wait3A_23 = tpu.memref_slice %arg3[%add3A, %dma_wait3A_22] : memref<32x10240xf32, #tpu.memory_space<hbm>> -> memref<1x10240xf32, #tpu.memory_space<hbm>>
      %dma_wait3A_24 = tpu.memref_squeeze %dma_wait3A_23 : memref<1x10240xf32, #tpu.memory_space<hbm>> -> memref<10240xf32, #tpu.memory_space<hbm>>
      tpu.wait_dma2 semaphore(%run_scoped3A : memref<!tpu.dma_semaphore, #tpu.memory_space<semaphore_mem>>) src(%arg5 : memref<10240xf32, #tpu.memory_space<vmem>>) dst(%dma_wait3A_24 : memref<10240xf32, #tpu.memory_space<hbm>>)
      tpu.yield
    }) : () -> ()
    return
  }
}

#map = affine_map<(d0, d1) -> (0, 0)>
#map1 = affine_map<(d0, d1) -> (0, 0, 0)>
module attributes {stable_mosaic.version = 14 : i64} {
  func.func @k(%arg0: i32, %arg1: i32, %arg2: memref<10240x128xf32, #tpu.memory_space<hbm>>, %arg3: memref<32x159x128xi32, #tpu.memory_space<hbm>>, %arg4: memref<10240x128xf32, #tpu.memory_space<hbm>>, %arg5: memref<20480x128xf32, #tpu.memory_space<hbm>>, %arg6: memref<159x128xi32, #tpu.memory_space<vmem>>, %arg7: memref<3x64x128xf32, #tpu.memory_space<vmem>>, %arg8: memref<10240x128xf32, #tpu.memory_space<vmem_shared>>, %arg9: memref<3x!tpu.dma_semaphore, #tpu.memory_space<semaphore_mem>>, %arg10: memref<3x!tpu.dma_semaphore, #tpu.memory_space<semaphore_mem>>, %arg11: memref<!tpu.dma_semaphore, #tpu.memory_space<semaphore_mem>>) attributes {dimension_semantics = [#tpu.dimension_semantics<core_parallel>, #tpu.dimension_semantics<subcore_parallel>], iteration_bounds = array<i64: 2, 16>, scalar_prefetch = 0 : i64, scratch_operands = 6 : i64, tpu.core_type = #tpu.core_type<sc_vector_subcore>, window_params = [{transform_indices = #map}, {transform_indices = #map1}, {transform_indices = #map}, {transform_indices = #map}]} {
    %mul3A = arith.constant 2 : i32
    %mul3A_0 = arith.muli %arg1, %mul3A : i32
    %add3A = arith.addi %mul3A_0, %arg0 : i32
    %mul3A_1 = arith.constant 640 : i32
    %mul3A_2 = arith.muli %arg1, %mul3A_1 : i32
    %dma_start3A = arith.constant 0 : i32
    %dma_start3A_3 = arith.constant 0 : i32
    %dma_start3A_4 = tpu.memref_slice %arg3[%add3A, %dma_start3A, %dma_start3A_3] : memref<32x159x128xi32, #tpu.memory_space<hbm>> -> memref<1x159x128xi32, #tpu.memory_space<hbm>>
    %dma_start3A_5 = tpu.memref_squeeze %dma_start3A_4 : memref<1x159x128xi32, #tpu.memory_space<hbm>> -> memref<159x128xi32, #tpu.memory_space<hbm>>
    %dma_start3A_6 = arith.constant 0 : i32
    %dma_start3A_7 = arith.constant 0 : i32
    %dma_start3A_8 = tpu.memref_slice %arg3[%add3A, %dma_start3A_6, %dma_start3A_7] : memref<32x159x128xi32, #tpu.memory_space<hbm>> -> memref<1x159x128xi32, #tpu.memory_space<hbm>>
    %dma_start3A_9 = tpu.memref_squeeze %dma_start3A_8 : memref<1x159x128xi32, #tpu.memory_space<hbm>> -> memref<159x128xi32, #tpu.memory_space<hbm>>
    tpu.enqueue_dma source(%dma_start3A_9 : memref<159x128xi32, #tpu.memory_space<hbm>>) target(%arg6 : memref<159x128xi32, #tpu.memory_space<vmem>>) target_semaphore(%arg11 : memref<!tpu.dma_semaphore, #tpu.memory_space<semaphore_mem>>)
    "tpu.region"() ({
      %run_scoped3A = tpu.sem_alloc : memref<!tpu.dma_semaphore, #tpu.memory_space<semaphore_mem>>
      %dma_start3A_205 = arith.constant 0 : i32
      %dma_start3A_206 = tpu.memref_slice %arg8[%mul3A_2, %dma_start3A_205] : memref<10240x128xf32, #tpu.memory_space<vmem_shared>> -> memref<640x128xf32, #tpu.memory_space<vmem_shared>>
      %dma_start3A_207 = arith.constant 0 : i32
      %dma_start3A_208 = tpu.memref_slice %arg4[%mul3A_2, %dma_start3A_207] : memref<10240x128xf32, #tpu.memory_space<hbm>> -> memref<640x128xf32, #tpu.memory_space<hbm>>
      tpu.enqueue_dma source(%dma_start3A_208 : memref<640x128xf32, #tpu.memory_space<hbm>>) target(%dma_start3A_206 : memref<640x128xf32, #tpu.memory_space<vmem_shared>>) target_semaphore(%run_scoped3A : memref<!tpu.dma_semaphore, #tpu.memory_space<semaphore_mem>>)
      %dma_wait3A_209 = arith.constant 0 : i32
      %dma_wait3A_210 = tpu.memref_slice %arg8[%mul3A_2, %dma_wait3A_209] : memref<10240x128xf32, #tpu.memory_space<vmem_shared>> -> memref<640x128xf32, #tpu.memory_space<vmem_shared>>
      %dma_wait3A_211 = arith.constant 0 : i32
      %dma_wait3A_212 = tpu.memref_slice %arg4[%mul3A_2, %dma_wait3A_211] : memref<10240x128xf32, #tpu.memory_space<hbm>> -> memref<640x128xf32, #tpu.memory_space<hbm>>
      tpu.wait_dma2 semaphore(%run_scoped3A : memref<!tpu.dma_semaphore, #tpu.memory_space<semaphore_mem>>) src(%dma_wait3A_212 : memref<640x128xf32, #tpu.memory_space<hbm>>) dst(%dma_wait3A_210 : memref<640x128xf32, #tpu.memory_space<vmem_shared>>)
      tpu.yield
    }) : () -> ()
    %dma_wait3A = arith.constant 0 : i32
    %dma_wait3A_10 = arith.constant 0 : i32
    %dma_wait3A_11 = tpu.memref_slice %arg3[%add3A, %dma_wait3A, %dma_wait3A_10] : memref<32x159x128xi32, #tpu.memory_space<hbm>> -> memref<1x159x128xi32, #tpu.memory_space<hbm>>
    %dma_wait3A_12 = tpu.memref_squeeze %dma_wait3A_11 : memref<1x159x128xi32, #tpu.memory_space<hbm>> -> memref<159x128xi32, #tpu.memory_space<hbm>>
    %dma_wait3A_13 = arith.constant 0 : i32
    %dma_wait3A_14 = arith.constant 0 : i32
    %dma_wait3A_15 = tpu.memref_slice %arg3[%add3A, %dma_wait3A_13, %dma_wait3A_14] : memref<32x159x128xi32, #tpu.memory_space<hbm>> -> memref<1x159x128xi32, #tpu.memory_space<hbm>>
    %dma_wait3A_16 = tpu.memref_squeeze %dma_wait3A_15 : memref<1x159x128xi32, #tpu.memory_space<hbm>> -> memref<159x128xi32, #tpu.memory_space<hbm>>
    tpu.wait_dma2 semaphore(%arg11 : memref<!tpu.dma_semaphore, #tpu.memory_space<semaphore_mem>>) src(%dma_wait3A_16 : memref<159x128xi32, #tpu.memory_space<hbm>>) dst(%arg6 : memref<159x128xi32, #tpu.memory_space<vmem>>)
    %barrier3A = arith.constant 0 : index
    tpu.barrier barrier_id(%barrier3A)
    %dma_start3A_17 = arith.constant 0 : i32
    %dma_start3A_18 = arith.constant 0 : i32
    %dma_start3A_19 = arith.constant 0 : i32
    %dma_start3A_20 = arith.constant 0 : i32
    %dma_start3A_21 = arith.constant 0 : i32
    %dma_start3A_22 = tpu.memref_slice %arg7[%dma_start3A_18, %dma_start3A_20, %dma_start3A_21] : memref<3x64x128xf32, #tpu.memory_space<vmem>> -> memref<1x64x128xf32, #tpu.memory_space<vmem>>
    %dma_start3A_23 = tpu.memref_squeeze %dma_start3A_22 : memref<1x64x128xf32, #tpu.memory_space<vmem>> -> memref<64x128xf32, #tpu.memory_space<vmem>>
    %dma_start3A_24 = arith.constant 0 : i32
    %dma_start3A_25 = tpu.memref_slice %arg6[%dma_start3A_17, %dma_start3A_24] : memref<159x128xi32, #tpu.memory_space<vmem>> -> memref<1x64xi32, #tpu.memory_space<vmem>>
    %dma_start3A_26 = tpu.memref_squeeze %dma_start3A_25 : memref<1x64xi32, #tpu.memory_space<vmem>> -> memref<64xi32, #tpu.memory_space<vmem>>
    %dma_start3A_27 = arith.constant 0 : i32
    %dma_start3A_28 = arith.constant 0 : i32
    %dma_start3A_29 = tpu.memref_slice %arg2[%dma_start3A_27, %dma_start3A_28] : memref<10240x128xf32, #tpu.memory_space<hbm>> -> memref<10240x128xf32, #tpu.memory_space<hbm>>
    %dma_start3A_30 = tpu.memref_slice %arg9[%dma_start3A_19] : memref<3x!tpu.dma_semaphore, #tpu.memory_space<semaphore_mem>> -> memref<1x!tpu.dma_semaphore, #tpu.memory_space<semaphore_mem>>
    %dma_start3A_31 = tpu.memref_squeeze %dma_start3A_30 : memref<1x!tpu.dma_semaphore, #tpu.memory_space<semaphore_mem>> -> memref<!tpu.dma_semaphore, #tpu.memory_space<semaphore_mem>>
    tpu.enqueue_indirect_dma source(%dma_start3A_29 : memref<10240x128xf32, #tpu.memory_space<hbm>>) target(%dma_start3A_23 : memref<64x128xf32, #tpu.memory_space<vmem>>) offsets(%dma_start3A_26 : memref<64xi32, #tpu.memory_space<vmem>>) semaphore(%dma_start3A_31 : memref<!tpu.dma_semaphore, #tpu.memory_space<semaphore_mem>>)
    %dma_wait3A_32 = arith.constant 0 : i32
    %dma_wait3A_33 = arith.constant 0 : i32
    %dma_wait3A_34 = arith.constant 0 : i32
    %dma_wait3A_35 = arith.constant 0 : i32
    %dma_wait3A_36 = arith.constant 0 : i32
    %dma_wait3A_37 = tpu.memref_slice %arg7[%dma_wait3A_33, %dma_wait3A_35, %dma_wait3A_36] : memref<3x64x128xf32, #tpu.memory_space<vmem>> -> memref<1x64x128xf32, #tpu.memory_space<vmem>>
    %dma_wait3A_38 = tpu.memref_squeeze %dma_wait3A_37 : memref<1x64x128xf32, #tpu.memory_space<vmem>> -> memref<64x128xf32, #tpu.memory_space<vmem>>
    %dma_wait3A_39 = arith.constant 0 : i32
    %dma_wait3A_40 = tpu.memref_slice %arg6[%dma_wait3A_32, %dma_wait3A_39] : memref<159x128xi32, #tpu.memory_space<vmem>> -> memref<1x64xi32, #tpu.memory_space<vmem>>
    %dma_wait3A_41 = tpu.memref_squeeze %dma_wait3A_40 : memref<1x64xi32, #tpu.memory_space<vmem>> -> memref<64xi32, #tpu.memory_space<vmem>>
    %dma_wait3A_42 = arith.constant 0 : i32
    %dma_wait3A_43 = arith.constant 0 : i32
    %dma_wait3A_44 = tpu.memref_slice %arg2[%dma_wait3A_42, %dma_wait3A_43] : memref<10240x128xf32, #tpu.memory_space<hbm>> -> memref<10240x128xf32, #tpu.memory_space<hbm>>
    %dma_wait3A_45 = tpu.memref_slice %arg9[%dma_wait3A_34] : memref<3x!tpu.dma_semaphore, #tpu.memory_space<semaphore_mem>> -> memref<1x!tpu.dma_semaphore, #tpu.memory_space<semaphore_mem>>
    %dma_wait3A_46 = tpu.memref_squeeze %dma_wait3A_45 : memref<1x!tpu.dma_semaphore, #tpu.memory_space<semaphore_mem>> -> memref<!tpu.dma_semaphore, #tpu.memory_space<semaphore_mem>>
    tpu.wait_indirect_dma semaphore(%dma_wait3A_46 : memref<!tpu.dma_semaphore, #tpu.memory_space<semaphore_mem>>) src(%dma_wait3A_44 : memref<10240x128xf32, #tpu.memory_space<hbm>>) dst(%dma_wait3A_38 : memref<64x128xf32, #tpu.memory_space<vmem>>)
    %dma_start3A_47 = arith.constant 0 : i32
    %dma_start3A_48 = arith.constant 0 : i32
    %dma_start3A_49 = arith.constant 0 : i32
    %dma_start3A_50 = arith.constant 0 : i32
    %dma_start3A_51 = arith.constant 0 : i32
    %dma_start3A_52 = tpu.memref_slice %arg7[%dma_start3A_47, %dma_start3A_50, %dma_start3A_51] : memref<3x64x128xf32, #tpu.memory_space<vmem>> -> memref<1x64x128xf32, #tpu.memory_space<vmem>>
    %dma_start3A_53 = tpu.memref_squeeze %dma_start3A_52 : memref<1x64x128xf32, #tpu.memory_space<vmem>> -> memref<64x128xf32, #tpu.memory_space<vmem>>
    %dma_start3A_54 = arith.constant 64 : i32
    %dma_start3A_55 = tpu.memref_slice %arg6[%dma_start3A_48, %dma_start3A_54] : memref<159x128xi32, #tpu.memory_space<vmem>> -> memref<1x64xi32, #tpu.memory_space<vmem>>
    %dma_start3A_56 = tpu.memref_squeeze %dma_start3A_55 : memref<1x64xi32, #tpu.memory_space<vmem>> -> memref<64xi32, #tpu.memory_space<vmem>>
    %dma_start3A_57 = arith.constant 0 : i32
    %dma_start3A_58 = arith.constant 0 : i32
    %dma_start3A_59 = tpu.memref_slice %arg8[%dma_start3A_57, %dma_start3A_58] : memref<10240x128xf32, #tpu.memory_space<vmem_shared>> -> memref<10240x128xf32, #tpu.memory_space<vmem_shared>>
    %dma_start3A_60 = tpu.memref_slice %arg10[%dma_start3A_49] : memref<3x!tpu.dma_semaphore, #tpu.memory_space<semaphore_mem>> -> memref<1x!tpu.dma_semaphore, #tpu.memory_space<semaphore_mem>>
    %dma_start3A_61 = tpu.memref_squeeze %dma_start3A_60 : memref<1x!tpu.dma_semaphore, #tpu.memory_space<semaphore_mem>> -> memref<!tpu.dma_semaphore, #tpu.memory_space<semaphore_mem>>
    tpu.enqueue_indirect_dma source(%dma_start3A_53 : memref<64x128xf32, #tpu.memory_space<vmem>>) target(%dma_start3A_59 : memref<10240x128xf32, #tpu.memory_space<vmem_shared>>) offsets(%dma_start3A_56 : memref<64xi32, #tpu.memory_space<vmem>>) semaphore(%dma_start3A_61 : memref<!tpu.dma_semaphore, #tpu.memory_space<semaphore_mem>>) {add = true}
    %dma_start3A_62 = arith.constant 1 : i32
    %dma_start3A_63 = arith.constant 1 : i32
    %dma_start3A_64 = arith.constant 1 : i32
    %dma_start3A_65 = arith.constant 0 : i32
    %dma_start3A_66 = arith.constant 0 : i32
    %dma_start3A_67 = tpu.memref_slice %arg7[%dma_start3A_63, %dma_start3A_65, %dma_start3A_66] : memref<3x64x128xf32, #tpu.memory_space<vmem>> -> memref<1x64x128xf32, #tpu.memory_space<vmem>>
    %dma_start3A_68 = tpu.memref_squeeze %dma_start3A_67 : memref<1x64x128xf32, #tpu.memory_space<vmem>> -> memref<64x128xf32, #tpu.memory_space<vmem>>
    %dma_start3A_69 = arith.constant 0 : i32
    %dma_start3A_70 = tpu.memref_slice %arg6[%dma_start3A_62, %dma_start3A_69] : memref<159x128xi32, #tpu.memory_space<vmem>> -> memref<1x64xi32, #tpu.memory_space<vmem>>
    %dma_start3A_71 = tpu.memref_squeeze %dma_start3A_70 : memref<1x64xi32, #tpu.memory_space<vmem>> -> memref<64xi32, #tpu.memory_space<vmem>>
    %dma_start3A_72 = arith.constant 0 : i32
    %dma_start3A_73 = arith.constant 0 : i32
    %dma_start3A_74 = tpu.memref_slice %arg2[%dma_start3A_72, %dma_start3A_73] : memref<10240x128xf32, #tpu.memory_space<hbm>> -> memref<10240x128xf32, #tpu.memory_space<hbm>>
    %dma_start3A_75 = tpu.memref_slice %arg9[%dma_start3A_64] : memref<3x!tpu.dma_semaphore, #tpu.memory_space<semaphore_mem>> -> memref<1x!tpu.dma_semaphore, #tpu.memory_space<semaphore_mem>>
    %dma_start3A_76 = tpu.memref_squeeze %dma_start3A_75 : memref<1x!tpu.dma_semaphore, #tpu.memory_space<semaphore_mem>> -> memref<!tpu.dma_semaphore, #tpu.memory_space<semaphore_mem>>
    tpu.enqueue_indirect_dma source(%dma_start3A_74 : memref<10240x128xf32, #tpu.memory_space<hbm>>) target(%dma_start3A_68 : memref<64x128xf32, #tpu.memory_space<vmem>>) offsets(%dma_start3A_71 : memref<64xi32, #tpu.memory_space<vmem>>) semaphore(%dma_start3A_76 : memref<!tpu.dma_semaphore, #tpu.memory_space<semaphore_mem>>)
    %dma_wait3A_77 = arith.constant 1 : i32
    %dma_wait3A_78 = arith.constant 1 : i32
    %dma_wait3A_79 = arith.constant 1 : i32
    %dma_wait3A_80 = arith.constant 0 : i32
    %dma_wait3A_81 = arith.constant 0 : i32
    %dma_wait3A_82 = tpu.memref_slice %arg7[%dma_wait3A_78, %dma_wait3A_80, %dma_wait3A_81] : memref<3x64x128xf32, #tpu.memory_space<vmem>> -> memref<1x64x128xf32, #tpu.memory_space<vmem>>
    %dma_wait3A_83 = tpu.memref_squeeze %dma_wait3A_82 : memref<1x64x128xf32, #tpu.memory_space<vmem>> -> memref<64x128xf32, #tpu.memory_space<vmem>>
    %dma_wait3A_84 = arith.constant 0 : i32
    %dma_wait3A_85 = tpu.memref_slice %arg6[%dma_wait3A_77, %dma_wait3A_84] : memref<159x128xi32, #tpu.memory_space<vmem>> -> memref<1x64xi32, #tpu.memory_space<vmem>>
    %dma_wait3A_86 = tpu.memref_squeeze %dma_wait3A_85 : memref<1x64xi32, #tpu.memory_space<vmem>> -> memref<64xi32, #tpu.memory_space<vmem>>
    %dma_wait3A_87 = arith.constant 0 : i32
    %dma_wait3A_88 = arith.constant 0 : i32
    %dma_wait3A_89 = tpu.memref_slice %arg2[%dma_wait3A_87, %dma_wait3A_88] : memref<10240x128xf32, #tpu.memory_space<hbm>> -> memref<10240x128xf32, #tpu.memory_space<hbm>>
    %dma_wait3A_90 = tpu.memref_slice %arg9[%dma_wait3A_79] : memref<3x!tpu.dma_semaphore, #tpu.memory_space<semaphore_mem>> -> memref<1x!tpu.dma_semaphore, #tpu.memory_space<semaphore_mem>>
    %dma_wait3A_91 = tpu.memref_squeeze %dma_wait3A_90 : memref<1x!tpu.dma_semaphore, #tpu.memory_space<semaphore_mem>> -> memref<!tpu.dma_semaphore, #tpu.memory_space<semaphore_mem>>
    tpu.wait_indirect_dma semaphore(%dma_wait3A_91 : memref<!tpu.dma_semaphore, #tpu.memory_space<semaphore_mem>>) src(%dma_wait3A_89 : memref<10240x128xf32, #tpu.memory_space<hbm>>) dst(%dma_wait3A_83 : memref<64x128xf32, #tpu.memory_space<vmem>>)
    %dma_start3A_92 = arith.constant 1 : i32
    %dma_start3A_93 = arith.constant 1 : i32
    %dma_start3A_94 = arith.constant 1 : i32
    %dma_start3A_95 = arith.constant 0 : i32
    %dma_start3A_96 = arith.constant 0 : i32
    %dma_start3A_97 = tpu.memref_slice %arg7[%dma_start3A_92, %dma_start3A_95, %dma_start3A_96] : memref<3x64x128xf32, #tpu.memory_space<vmem>> -> memref<1x64x128xf32, #tpu.memory_space<vmem>>
    %dma_start3A_98 = tpu.memref_squeeze %dma_start3A_97 : memref<1x64x128xf32, #tpu.memory_space<vmem>> -> memref<64x128xf32, #tpu.memory_space<vmem>>
    %dma_start3A_99 = arith.constant 64 : i32
    %dma_start3A_100 = tpu.memref_slice %arg6[%dma_start3A_93, %dma_start3A_99] : memref<159x128xi32, #tpu.memory_space<vmem>> -> memref<1x64xi32, #tpu.memory_space<vmem>>
    %dma_start3A_101 = tpu.memref_squeeze %dma_start3A_100 : memref<1x64xi32, #tpu.memory_space<vmem>> -> memref<64xi32, #tpu.memory_space<vmem>>
    %dma_start3A_102 = arith.constant 0 : i32
    %dma_start3A_103 = arith.constant 0 : i32
    %dma_start3A_104 = tpu.memref_slice %arg8[%dma_start3A_102, %dma_start3A_103] : memref<10240x128xf32, #tpu.memory_space<vmem_shared>> -> memref<10240x128xf32, #tpu.memory_space<vmem_shared>>
    %dma_start3A_105 = tpu.memref_slice %arg10[%dma_start3A_94] : memref<3x!tpu.dma_semaphore, #tpu.memory_space<semaphore_mem>> -> memref<1x!tpu.dma_semaphore, #tpu.memory_space<semaphore_mem>>
    %dma_start3A_106 = tpu.memref_squeeze %dma_start3A_105 : memref<1x!tpu.dma_semaphore, #tpu.memory_space<semaphore_mem>> -> memref<!tpu.dma_semaphore, #tpu.memory_space<semaphore_mem>>
    tpu.enqueue_indirect_dma source(%dma_start3A_98 : memref<64x128xf32, #tpu.memory_space<vmem>>) target(%dma_start3A_104 : memref<10240x128xf32, #tpu.memory_space<vmem_shared>>) offsets(%dma_start3A_101 : memref<64xi32, #tpu.memory_space<vmem>>) semaphore(%dma_start3A_106 : memref<!tpu.dma_semaphore, #tpu.memory_space<semaphore_mem>>) {add = true}
    %dma_start3A_107 = arith.constant 2 : i32
    %dma_start3A_108 = arith.constant 2 : i32
    %dma_start3A_109 = arith.constant 2 : i32
    %dma_start3A_110 = arith.constant 0 : i32
    %dma_start3A_111 = arith.constant 0 : i32
    %dma_start3A_112 = tpu.memref_slice %arg7[%dma_start3A_108, %dma_start3A_110, %dma_start3A_111] : memref<3x64x128xf32, #tpu.memory_space<vmem>> -> memref<1x64x128xf32, #tpu.memory_space<vmem>>
    %dma_start3A_113 = tpu.memref_squeeze %dma_start3A_112 : memref<1x64x128xf32, #tpu.memory_space<vmem>> -> memref<64x128xf32, #tpu.memory_space<vmem>>
    %dma_start3A_114 = arith.constant 0 : i32
    %dma_start3A_115 = tpu.memref_slice %arg6[%dma_start3A_107, %dma_start3A_114] : memref<159x128xi32, #tpu.memory_space<vmem>> -> memref<1x64xi32, #tpu.memory_space<vmem>>
    %dma_start3A_116 = tpu.memref_squeeze %dma_start3A_115 : memref<1x64xi32, #tpu.memory_space<vmem>> -> memref<64xi32, #tpu.memory_space<vmem>>
    %dma_start3A_117 = arith.constant 0 : i32
    %dma_start3A_118 = arith.constant 0 : i32
    %dma_start3A_119 = tpu.memref_slice %arg2[%dma_start3A_117, %dma_start3A_118] : memref<10240x128xf32, #tpu.memory_space<hbm>> -> memref<10240x128xf32, #tpu.memory_space<hbm>>
    %dma_start3A_120 = tpu.memref_slice %arg9[%dma_start3A_109] : memref<3x!tpu.dma_semaphore, #tpu.memory_space<semaphore_mem>> -> memref<1x!tpu.dma_semaphore, #tpu.memory_space<semaphore_mem>>
    %dma_start3A_121 = tpu.memref_squeeze %dma_start3A_120 : memref<1x!tpu.dma_semaphore, #tpu.memory_space<semaphore_mem>> -> memref<!tpu.dma_semaphore, #tpu.memory_space<semaphore_mem>>
    tpu.enqueue_indirect_dma source(%dma_start3A_119 : memref<10240x128xf32, #tpu.memory_space<hbm>>) target(%dma_start3A_113 : memref<64x128xf32, #tpu.memory_space<vmem>>) offsets(%dma_start3A_116 : memref<64xi32, #tpu.memory_space<vmem>>) semaphore(%dma_start3A_121 : memref<!tpu.dma_semaphore, #tpu.memory_space<semaphore_mem>>)
    %scan3A = arith.constant 0 : i32
    %scan3A_122 = arith.constant 52 : i32
    %scan3A_123 = arith.addi %scan3A, %scan3A_122 : i32
    %scan3A_124 = arith.constant 1 : i32
    scf.for %scan3A_205 = %scan3A to %scan3A_123 step %scan3A_124  : i32 {
      %mul3A_206 = arith.constant 1 : i32
      %mul3A_207 = arith.muli %scan3A_205, %mul3A_206 : i32
      %add3A_208 = arith.constant 0 : i32
      %add3A_209 = arith.addi %add3A_208, %mul3A_207 : i32
      %mul3A_210 = arith.constant 3 : i32
      %mul3A_211 = arith.muli %add3A_209, %mul3A_210 : i32
      %add3A_212 = arith.constant 2 : i32
      %add3A_213 = arith.addi %add3A_212, %mul3A_211 : i32
      %add3A_214 = arith.constant 0 : i32
      %add3A_215 = arith.addi %add3A_213, %add3A_214 : i32
      %dma_wait3A_216 = arith.constant 2 : i32
      %dma_wait3A_217 = arith.constant 2 : i32
      %dma_wait3A_218 = arith.constant 0 : i32
      %dma_wait3A_219 = arith.constant 0 : i32
      %dma_wait3A_220 = tpu.memref_slice %arg7[%dma_wait3A_216, %dma_wait3A_218, %dma_wait3A_219] : memref<3x64x128xf32, #tpu.memory_space<vmem>> -> memref<1x64x128xf32, #tpu.memory_space<vmem>>
      %dma_wait3A_221 = tpu.memref_squeeze %dma_wait3A_220 : memref<1x64x128xf32, #tpu.memory_space<vmem>> -> memref<64x128xf32, #tpu.memory_space<vmem>>
      %dma_wait3A_222 = arith.constant 0 : i32
      %dma_wait3A_223 = tpu.memref_slice %arg6[%add3A_215, %dma_wait3A_222] : memref<159x128xi32, #tpu.memory_space<vmem>> -> memref<1x64xi32, #tpu.memory_space<vmem>>
      %dma_wait3A_224 = tpu.memref_squeeze %dma_wait3A_223 : memref<1x64xi32, #tpu.memory_space<vmem>> -> memref<64xi32, #tpu.memory_space<vmem>>
      %dma_wait3A_225 = arith.constant 0 : i32
      %dma_wait3A_226 = arith.constant 0 : i32
      %dma_wait3A_227 = tpu.memref_slice %arg2[%dma_wait3A_225, %dma_wait3A_226] : memref<10240x128xf32, #tpu.memory_space<hbm>> -> memref<10240x128xf32, #tpu.memory_space<hbm>>
      %dma_wait3A_228 = tpu.memref_slice %arg9[%dma_wait3A_217] : memref<3x!tpu.dma_semaphore, #tpu.memory_space<semaphore_mem>> -> memref<1x!tpu.dma_semaphore, #tpu.memory_space<semaphore_mem>>
      %dma_wait3A_229 = tpu.memref_squeeze %dma_wait3A_228 : memref<1x!tpu.dma_semaphore, #tpu.memory_space<semaphore_mem>> -> memref<!tpu.dma_semaphore, #tpu.memory_space<semaphore_mem>>
      tpu.wait_indirect_dma semaphore(%dma_wait3A_229 : memref<!tpu.dma_semaphore, #tpu.memory_space<semaphore_mem>>) src(%dma_wait3A_227 : memref<10240x128xf32, #tpu.memory_space<hbm>>) dst(%dma_wait3A_221 : memref<64x128xf32, #tpu.memory_space<vmem>>)
      %dma_start3A_230 = arith.constant 2 : i32
      %dma_start3A_231 = arith.constant 2 : i32
      %dma_start3A_232 = arith.constant 0 : i32
      %dma_start3A_233 = arith.constant 0 : i32
      %dma_start3A_234 = tpu.memref_slice %arg7[%dma_start3A_230, %dma_start3A_232, %dma_start3A_233] : memref<3x64x128xf32, #tpu.memory_space<vmem>> -> memref<1x64x128xf32, #tpu.memory_space<vmem>>
      %dma_start3A_235 = tpu.memref_squeeze %dma_start3A_234 : memref<1x64x128xf32, #tpu.memory_space<vmem>> -> memref<64x128xf32, #tpu.memory_space<vmem>>
      %dma_start3A_236 = arith.constant 64 : i32
      %dma_start3A_237 = tpu.memref_slice %arg6[%add3A_215, %dma_start3A_236] : memref<159x128xi32, #tpu.memory_space<vmem>> -> memref<1x64xi32, #tpu.memory_space<vmem>>
      %dma_start3A_238 = tpu.memref_squeeze %dma_start3A_237 : memref<1x64xi32, #tpu.memory_space<vmem>> -> memref<64xi32, #tpu.memory_space<vmem>>
      %dma_start3A_239 = arith.constant 0 : i32
      %dma_start3A_240 = arith.constant 0 : i32
      %dma_start3A_241 = tpu.memref_slice %arg8[%dma_start3A_239, %dma_start3A_240] : memref<10240x128xf32, #tpu.memory_space<vmem_shared>> -> memref<10240x128xf32, #tpu.memory_space<vmem_shared>>
      %dma_start3A_242 = tpu.memref_slice %arg10[%dma_start3A_231] : memref<3x!tpu.dma_semaphore, #tpu.memory_space<semaphore_mem>> -> memref<1x!tpu.dma_semaphore, #tpu.memory_space<semaphore_mem>>
      %dma_start3A_243 = tpu.memref_squeeze %dma_start3A_242 : memref<1x!tpu.dma_semaphore, #tpu.memory_space<semaphore_mem>> -> memref<!tpu.dma_semaphore, #tpu.memory_space<semaphore_mem>>
      tpu.enqueue_indirect_dma source(%dma_start3A_235 : memref<64x128xf32, #tpu.memory_space<vmem>>) target(%dma_start3A_241 : memref<10240x128xf32, #tpu.memory_space<vmem_shared>>) offsets(%dma_start3A_238 : memref<64xi32, #tpu.memory_space<vmem>>) semaphore(%dma_start3A_243 : memref<!tpu.dma_semaphore, #tpu.memory_space<semaphore_mem>>) {add = true}
      %sub3A = arith.constant 2 : i32
      %sub3A_244 = arith.subi %add3A_215, %sub3A : i32
      %dma_wait3A_245 = arith.constant 0 : i32
      %dma_wait3A_246 = arith.constant 0 : i32
      %dma_wait3A_247 = arith.constant 0 : i32
      %dma_wait3A_248 = arith.constant 0 : i32
      %dma_wait3A_249 = tpu.memref_slice %arg7[%dma_wait3A_245, %dma_wait3A_247, %dma_wait3A_248] : memref<3x64x128xf32, #tpu.memory_space<vmem>> -> memref<1x64x128xf32, #tpu.memory_space<vmem>>
      %dma_wait3A_250 = tpu.memref_squeeze %dma_wait3A_249 : memref<1x64x128xf32, #tpu.memory_space<vmem>> -> memref<64x128xf32, #tpu.memory_space<vmem>>
      %dma_wait3A_251 = arith.constant 64 : i32
      %dma_wait3A_252 = tpu.memref_slice %arg6[%sub3A_244, %dma_wait3A_251] : memref<159x128xi32, #tpu.memory_space<vmem>> -> memref<1x64xi32, #tpu.memory_space<vmem>>
      %dma_wait3A_253 = tpu.memref_squeeze %dma_wait3A_252 : memref<1x64xi32, #tpu.memory_space<vmem>> -> memref<64xi32, #tpu.memory_space<vmem>>
      %dma_wait3A_254 = arith.constant 0 : i32
      %dma_wait3A_255 = arith.constant 0 : i32
      %dma_wait3A_256 = tpu.memref_slice %arg8[%dma_wait3A_254, %dma_wait3A_255] : memref<10240x128xf32, #tpu.memory_space<vmem_shared>> -> memref<10240x128xf32, #tpu.memory_space<vmem_shared>>
      %dma_wait3A_257 = tpu.memref_slice %arg10[%dma_wait3A_246] : memref<3x!tpu.dma_semaphore, #tpu.memory_space<semaphore_mem>> -> memref<1x!tpu.dma_semaphore, #tpu.memory_space<semaphore_mem>>
      %dma_wait3A_258 = tpu.memref_squeeze %dma_wait3A_257 : memref<1x!tpu.dma_semaphore, #tpu.memory_space<semaphore_mem>> -> memref<!tpu.dma_semaphore, #tpu.memory_space<semaphore_mem>>
      tpu.wait_indirect_dma semaphore(%dma_wait3A_258 : memref<!tpu.dma_semaphore, #tpu.memory_space<semaphore_mem>>) src(%dma_wait3A_250 : memref<64x128xf32, #tpu.memory_space<vmem>>) dst(%dma_wait3A_256 : memref<10240x128xf32, #tpu.memory_space<vmem_shared>>)
      %add3A_259 = arith.constant 1 : i32
      %add3A_260 = arith.addi %add3A_215, %add3A_259 : i32
      %dma_start3A_261 = arith.constant 0 : i32
      %dma_start3A_262 = arith.constant 0 : i32
      %dma_start3A_263 = arith.constant 0 : i32
      %dma_start3A_264 = arith.constant 0 : i32
      %dma_start3A_265 = tpu.memref_slice %arg7[%dma_start3A_261, %dma_start3A_263, %dma_start3A_264] : memref<3x64x128xf32, #tpu.memory_space<vmem>> -> memref<1x64x128xf32, #tpu.memory_space<vmem>>
      %dma_start3A_266 = tpu.memref_squeeze %dma_start3A_265 : memref<1x64x128xf32, #tpu.memory_space<vmem>> -> memref<64x128xf32, #tpu.memory_space<vmem>>
      %dma_start3A_267 = arith.constant 0 : i32
      %dma_start3A_268 = tpu.memref_slice %arg6[%add3A_260, %dma_start3A_267] : memref<159x128xi32, #tpu.memory_space<vmem>> -> memref<1x64xi32, #tpu.memory_space<vmem>>
      %dma_start3A_269 = tpu.memref_squeeze %dma_start3A_268 : memref<1x64xi32, #tpu.memory_space<vmem>> -> memref<64xi32, #tpu.memory_space<vmem>>
      %dma_start3A_270 = arith.constant 0 : i32
      %dma_start3A_271 = arith.constant 0 : i32
      %dma_start3A_272 = tpu.memref_slice %arg2[%dma_start3A_270, %dma_start3A_271] : memref<10240x128xf32, #tpu.memory_space<hbm>> -> memref<10240x128xf32, #tpu.memory_space<hbm>>
      %dma_start3A_273 = tpu.memref_slice %arg9[%dma_start3A_262] : memref<3x!tpu.dma_semaphore, #tpu.memory_space<semaphore_mem>> -> memref<1x!tpu.dma_semaphore, #tpu.memory_space<semaphore_mem>>
      %dma_start3A_274 = tpu.memref_squeeze %dma_start3A_273 : memref<1x!tpu.dma_semaphore, #tpu.memory_space<semaphore_mem>> -> memref<!tpu.dma_semaphore, #tpu.memory_space<semaphore_mem>>
      tpu.enqueue_indirect_dma source(%dma_start3A_272 : memref<10240x128xf32, #tpu.memory_space<hbm>>) target(%dma_start3A_266 : memref<64x128xf32, #tpu.memory_space<vmem>>) offsets(%dma_start3A_269 : memref<64xi32, #tpu.memory_space<vmem>>) semaphore(%dma_start3A_274 : memref<!tpu.dma_semaphore, #tpu.memory_space<semaphore_mem>>)
      %mul3A_275 = arith.constant 3 : i32
      %mul3A_276 = arith.muli %add3A_209, %mul3A_275 : i32
      %add3A_277 = arith.constant 2 : i32
      %add3A_278 = arith.addi %add3A_277, %mul3A_276 : i32
      %add3A_279 = arith.constant 1 : i32
      %add3A_280 = arith.addi %add3A_278, %add3A_279 : i32
      %dma_wait3A_281 = arith.constant 0 : i32
      %dma_wait3A_282 = arith.constant 0 : i32
      %dma_wait3A_283 = arith.constant 0 : i32
      %dma_wait3A_284 = arith.constant 0 : i32
      %dma_wait3A_285 = tpu.memref_slice %arg7[%dma_wait3A_281, %dma_wait3A_283, %dma_wait3A_284] : memref<3x64x128xf32, #tpu.memory_space<vmem>> -> memref<1x64x128xf32, #tpu.memory_space<vmem>>
      %dma_wait3A_286 = tpu.memref_squeeze %dma_wait3A_285 : memref<1x64x128xf32, #tpu.memory_space<vmem>> -> memref<64x128xf32, #tpu.memory_space<vmem>>
      %dma_wait3A_287 = arith.constant 0 : i32
      %dma_wait3A_288 = tpu.memref_slice %arg6[%add3A_280, %dma_wait3A_287] : memref<159x128xi32, #tpu.memory_space<vmem>> -> memref<1x64xi32, #tpu.memory_space<vmem>>
      %dma_wait3A_289 = tpu.memref_squeeze %dma_wait3A_288 : memref<1x64xi32, #tpu.memory_space<vmem>> -> memref<64xi32, #tpu.memory_space<vmem>>
      %dma_wait3A_290 = arith.constant 0 : i32
      %dma_wait3A_291 = arith.constant 0 : i32
      %dma_wait3A_292 = tpu.memref_slice %arg2[%dma_wait3A_290, %dma_wait3A_291] : memref<10240x128xf32, #tpu.memory_space<hbm>> -> memref<10240x128xf32, #tpu.memory_space<hbm>>
      %dma_wait3A_293 = tpu.memref_slice %arg9[%dma_wait3A_282] : memref<3x!tpu.dma_semaphore, #tpu.memory_space<semaphore_mem>> -> memref<1x!tpu.dma_semaphore, #tpu.memory_space<semaphore_mem>>
      %dma_wait3A_294 = tpu.memref_squeeze %dma_wait3A_293 : memref<1x!tpu.dma_semaphore, #tpu.memory_space<semaphore_mem>> -> memref<!tpu.dma_semaphore, #tpu.memory_space<semaphore_mem>>
      tpu.wait_indirect_dma semaphore(%dma_wait3A_294 : memref<!tpu.dma_semaphore, #tpu.memory_space<semaphore_mem>>) src(%dma_wait3A_292 : memref<10240x128xf32, #tpu.memory_space<hbm>>) dst(%dma_wait3A_286 : memref<64x128xf32, #tpu.memory_space<vmem>>)
      %dma_start3A_295 = arith.constant 0 : i32
      %dma_start3A_296 = arith.constant 0 : i32
      %dma_start3A_297 = arith.constant 0 : i32
      %dma_start3A_298 = arith.constant 0 : i32
      %dma_start3A_299 = tpu.memref_slice %arg7[%dma_start3A_295, %dma_start3A_297, %dma_start3A_298] : memref<3x64x128xf32, #tpu.memory_space<vmem>> -> memref<1x64x128xf32, #tpu.memory_space<vmem>>
      %dma_start3A_300 = tpu.memref_squeeze %dma_start3A_299 : memref<1x64x128xf32, #tpu.memory_space<vmem>> -> memref<64x128xf32, #tpu.memory_space<vmem>>
      %dma_start3A_301 = arith.constant 64 : i32
      %dma_start3A_302 = tpu.memref_slice %arg6[%add3A_280, %dma_start3A_301] : memref<159x128xi32, #tpu.memory_space<vmem>> -> memref<1x64xi32, #tpu.memory_space<vmem>>
      %dma_start3A_303 = tpu.memref_squeeze %dma_start3A_302 : memref<1x64xi32, #tpu.memory_space<vmem>> -> memref<64xi32, #tpu.memory_space<vmem>>
      %dma_start3A_304 = arith.constant 0 : i32
      %dma_start3A_305 = arith.constant 0 : i32
      %dma_start3A_306 = tpu.memref_slice %arg8[%dma_start3A_304, %dma_start3A_305] : memref<10240x128xf32, #tpu.memory_space<vmem_shared>> -> memref<10240x128xf32, #tpu.memory_space<vmem_shared>>
      %dma_start3A_307 = tpu.memref_slice %arg10[%dma_start3A_296] : memref<3x!tpu.dma_semaphore, #tpu.memory_space<semaphore_mem>> -> memref<1x!tpu.dma_semaphore, #tpu.memory_space<semaphore_mem>>
      %dma_start3A_308 = tpu.memref_squeeze %dma_start3A_307 : memref<1x!tpu.dma_semaphore, #tpu.memory_space<semaphore_mem>> -> memref<!tpu.dma_semaphore, #tpu.memory_space<semaphore_mem>>
      tpu.enqueue_indirect_dma source(%dma_start3A_300 : memref<64x128xf32, #tpu.memory_space<vmem>>) target(%dma_start3A_306 : memref<10240x128xf32, #tpu.memory_space<vmem_shared>>) offsets(%dma_start3A_303 : memref<64xi32, #tpu.memory_space<vmem>>) semaphore(%dma_start3A_308 : memref<!tpu.dma_semaphore, #tpu.memory_space<semaphore_mem>>) {add = true}
      %sub3A_309 = arith.constant 2 : i32
      %sub3A_310 = arith.subi %add3A_280, %sub3A_309 : i32
      %dma_wait3A_311 = arith.constant 1 : i32
      %dma_wait3A_312 = arith.constant 1 : i32
      %dma_wait3A_313 = arith.constant 0 : i32
      %dma_wait3A_314 = arith.constant 0 : i32
      %dma_wait3A_315 = tpu.memref_slice %arg7[%dma_wait3A_311, %dma_wait3A_313, %dma_wait3A_314] : memref<3x64x128xf32, #tpu.memory_space<vmem>> -> memref<1x64x128xf32, #tpu.memory_space<vmem>>
      %dma_wait3A_316 = tpu.memref_squeeze %dma_wait3A_315 : memref<1x64x128xf32, #tpu.memory_space<vmem>> -> memref<64x128xf32, #tpu.memory_space<vmem>>
      %dma_wait3A_317 = arith.constant 64 : i32
      %dma_wait3A_318 = tpu.memref_slice %arg6[%sub3A_310, %dma_wait3A_317] : memref<159x128xi32, #tpu.memory_space<vmem>> -> memref<1x64xi32, #tpu.memory_space<vmem>>
      %dma_wait3A_319 = tpu.memref_squeeze %dma_wait3A_318 : memref<1x64xi32, #tpu.memory_space<vmem>> -> memref<64xi32, #tpu.memory_space<vmem>>
      %dma_wait3A_320 = arith.constant 0 : i32
      %dma_wait3A_321 = arith.constant 0 : i32
      %dma_wait3A_322 = tpu.memref_slice %arg8[%dma_wait3A_320, %dma_wait3A_321] : memref<10240x128xf32, #tpu.memory_space<vmem_shared>> -> memref<10240x128xf32, #tpu.memory_space<vmem_shared>>
      %dma_wait3A_323 = tpu.memref_slice %arg10[%dma_wait3A_312] : memref<3x!tpu.dma_semaphore, #tpu.memory_space<semaphore_mem>> -> memref<1x!tpu.dma_semaphore, #tpu.memory_space<semaphore_mem>>
      %dma_wait3A_324 = tpu.memref_squeeze %dma_wait3A_323 : memref<1x!tpu.dma_semaphore, #tpu.memory_space<semaphore_mem>> -> memref<!tpu.dma_semaphore, #tpu.memory_space<semaphore_mem>>
      tpu.wait_indirect_dma semaphore(%dma_wait3A_324 : memref<!tpu.dma_semaphore, #tpu.memory_space<semaphore_mem>>) src(%dma_wait3A_316 : memref<64x128xf32, #tpu.memory_space<vmem>>) dst(%dma_wait3A_322 : memref<10240x128xf32, #tpu.memory_space<vmem_shared>>)
      %add3A_325 = arith.constant 1 : i32
      %add3A_326 = arith.addi %add3A_280, %add3A_325 : i32
      %dma_start3A_327 = arith.constant 1 : i32
      %dma_start3A_328 = arith.constant 1 : i32
      %dma_start3A_329 = arith.constant 0 : i32
      %dma_start3A_330 = arith.constant 0 : i32
      %dma_start3A_331 = tpu.memref_slice %arg7[%dma_start3A_327, %dma_start3A_329, %dma_start3A_330] : memref<3x64x128xf32, #tpu.memory_space<vmem>> -> memref<1x64x128xf32, #tpu.memory_space<vmem>>
      %dma_start3A_332 = tpu.memref_squeeze %dma_start3A_331 : memref<1x64x128xf32, #tpu.memory_space<vmem>> -> memref<64x128xf32, #tpu.memory_space<vmem>>
      %dma_start3A_333 = arith.constant 0 : i32
      %dma_start3A_334 = tpu.memref_slice %arg6[%add3A_326, %dma_start3A_333] : memref<159x128xi32, #tpu.memory_space<vmem>> -> memref<1x64xi32, #tpu.memory_space<vmem>>
      %dma_start3A_335 = tpu.memref_squeeze %dma_start3A_334 : memref<1x64xi32, #tpu.memory_space<vmem>> -> memref<64xi32, #tpu.memory_space<vmem>>
      %dma_start3A_336 = arith.constant 0 : i32
      %dma_start3A_337 = arith.constant 0 : i32
      %dma_start3A_338 = tpu.memref_slice %arg2[%dma_start3A_336, %dma_start3A_337] : memref<10240x128xf32, #tpu.memory_space<hbm>> -> memref<10240x128xf32, #tpu.memory_space<hbm>>
      %dma_start3A_339 = tpu.memref_slice %arg9[%dma_start3A_328] : memref<3x!tpu.dma_semaphore, #tpu.memory_space<semaphore_mem>> -> memref<1x!tpu.dma_semaphore, #tpu.memory_space<semaphore_mem>>
      %dma_start3A_340 = tpu.memref_squeeze %dma_start3A_339 : memref<1x!tpu.dma_semaphore, #tpu.memory_space<semaphore_mem>> -> memref<!tpu.dma_semaphore, #tpu.memory_space<semaphore_mem>>
      tpu.enqueue_indirect_dma source(%dma_start3A_338 : memref<10240x128xf32, #tpu.memory_space<hbm>>) target(%dma_start3A_332 : memref<64x128xf32, #tpu.memory_space<vmem>>) offsets(%dma_start3A_335 : memref<64xi32, #tpu.memory_space<vmem>>) semaphore(%dma_start3A_340 : memref<!tpu.dma_semaphore, #tpu.memory_space<semaphore_mem>>)
      %mul3A_341 = arith.constant 3 : i32
      %mul3A_342 = arith.muli %add3A_209, %mul3A_341 : i32
      %add3A_343 = arith.constant 2 : i32
      %add3A_344 = arith.addi %add3A_343, %mul3A_342 : i32
      %add3A_345 = arith.constant 2 : i32
      %add3A_346 = arith.addi %add3A_344, %add3A_345 : i32
      %dma_wait3A_347 = arith.constant 1 : i32
      %dma_wait3A_348 = arith.constant 1 : i32
      %dma_wait3A_349 = arith.constant 0 : i32
      %dma_wait3A_350 = arith.constant 0 : i32
      %dma_wait3A_351 = tpu.memref_slice %arg7[%dma_wait3A_347, %dma_wait3A_349, %dma_wait3A_350] : memref<3x64x128xf32, #tpu.memory_space<vmem>> -> memref<1x64x128xf32, #tpu.memory_space<vmem>>
      %dma_wait3A_352 = tpu.memref_squeeze %dma_wait3A_351 : memref<1x64x128xf32, #tpu.memory_space<vmem>> -> memref<64x128xf32, #tpu.memory_space<vmem>>
      %dma_wait3A_353 = arith.constant 0 : i32
      %dma_wait3A_354 = tpu.memref_slice %arg6[%add3A_346, %dma_wait3A_353] : memref<159x128xi32, #tpu.memory_space<vmem>> -> memref<1x64xi32, #tpu.memory_space<vmem>>
      %dma_wait3A_355 = tpu.memref_squeeze %dma_wait3A_354 : memref<1x64xi32, #tpu.memory_space<vmem>> -> memref<64xi32, #tpu.memory_space<vmem>>
      %dma_wait3A_356 = arith.constant 0 : i32
      %dma_wait3A_357 = arith.constant 0 : i32
      %dma_wait3A_358 = tpu.memref_slice %arg2[%dma_wait3A_356, %dma_wait3A_357] : memref<10240x128xf32, #tpu.memory_space<hbm>> -> memref<10240x128xf32, #tpu.memory_space<hbm>>
      %dma_wait3A_359 = tpu.memref_slice %arg9[%dma_wait3A_348] : memref<3x!tpu.dma_semaphore, #tpu.memory_space<semaphore_mem>> -> memref<1x!tpu.dma_semaphore, #tpu.memory_space<semaphore_mem>>
      %dma_wait3A_360 = tpu.memref_squeeze %dma_wait3A_359 : memref<1x!tpu.dma_semaphore, #tpu.memory_space<semaphore_mem>> -> memref<!tpu.dma_semaphore, #tpu.memory_space<semaphore_mem>>
      tpu.wait_indirect_dma semaphore(%dma_wait3A_360 : memref<!tpu.dma_semaphore, #tpu.memory_space<semaphore_mem>>) src(%dma_wait3A_358 : memref<10240x128xf32, #tpu.memory_space<hbm>>) dst(%dma_wait3A_352 : memref<64x128xf32, #tpu.memory_space<vmem>>)
      %dma_start3A_361 = arith.constant 1 : i32
      %dma_start3A_362 = arith.constant 1 : i32
      %dma_start3A_363 = arith.constant 0 : i32
      %dma_start3A_364 = arith.constant 0 : i32
      %dma_start3A_365 = tpu.memref_slice %arg7[%dma_start3A_361, %dma_start3A_363, %dma_start3A_364] : memref<3x64x128xf32, #tpu.memory_space<vmem>> -> memref<1x64x128xf32, #tpu.memory_space<vmem>>
      %dma_start3A_366 = tpu.memref_squeeze %dma_start3A_365 : memref<1x64x128xf32, #tpu.memory_space<vmem>> -> memref<64x128xf32, #tpu.memory_space<vmem>>
      %dma_start3A_367 = arith.constant 64 : i32
      %dma_start3A_368 = tpu.memref_slice %arg6[%add3A_346, %dma_start3A_367] : memref<159x128xi32, #tpu.memory_space<vmem>> -> memref<1x64xi32, #tpu.memory_space<vmem>>
      %dma_start3A_369 = tpu.memref_squeeze %dma_start3A_368 : memref<1x64xi32, #tpu.memory_space<vmem>> -> memref<64xi32, #tpu.memory_space<vmem>>
      %dma_start3A_370 = arith.constant 0 : i32
      %dma_start3A_371 = arith.constant 0 : i32
      %dma_start3A_372 = tpu.memref_slice %arg8[%dma_start3A_370, %dma_start3A_371] : memref<10240x128xf32, #tpu.memory_space<vmem_shared>> -> memref<10240x128xf32, #tpu.memory_space<vmem_shared>>
      %dma_start3A_373 = tpu.memref_slice %arg10[%dma_start3A_362] : memref<3x!tpu.dma_semaphore, #tpu.memory_space<semaphore_mem>> -> memref<1x!tpu.dma_semaphore, #tpu.memory_space<semaphore_mem>>
      %dma_start3A_374 = tpu.memref_squeeze %dma_start3A_373 : memref<1x!tpu.dma_semaphore, #tpu.memory_space<semaphore_mem>> -> memref<!tpu.dma_semaphore, #tpu.memory_space<semaphore_mem>>
      tpu.enqueue_indirect_dma source(%dma_start3A_366 : memref<64x128xf32, #tpu.memory_space<vmem>>) target(%dma_start3A_372 : memref<10240x128xf32, #tpu.memory_space<vmem_shared>>) offsets(%dma_start3A_369 : memref<64xi32, #tpu.memory_space<vmem>>) semaphore(%dma_start3A_374 : memref<!tpu.dma_semaphore, #tpu.memory_space<semaphore_mem>>) {add = true}
      %sub3A_375 = arith.constant 2 : i32
      %sub3A_376 = arith.subi %add3A_346, %sub3A_375 : i32
      %dma_wait3A_377 = arith.constant 2 : i32
      %dma_wait3A_378 = arith.constant 2 : i32
      %dma_wait3A_379 = arith.constant 0 : i32
      %dma_wait3A_380 = arith.constant 0 : i32
      %dma_wait3A_381 = tpu.memref_slice %arg7[%dma_wait3A_377, %dma_wait3A_379, %dma_wait3A_380] : memref<3x64x128xf32, #tpu.memory_space<vmem>> -> memref<1x64x128xf32, #tpu.memory_space<vmem>>
      %dma_wait3A_382 = tpu.memref_squeeze %dma_wait3A_381 : memref<1x64x128xf32, #tpu.memory_space<vmem>> -> memref<64x128xf32, #tpu.memory_space<vmem>>
      %dma_wait3A_383 = arith.constant 64 : i32
      %dma_wait3A_384 = tpu.memref_slice %arg6[%sub3A_376, %dma_wait3A_383] : memref<159x128xi32, #tpu.memory_space<vmem>> -> memref<1x64xi32, #tpu.memory_space<vmem>>
      %dma_wait3A_385 = tpu.memref_squeeze %dma_wait3A_384 : memref<1x64xi32, #tpu.memory_space<vmem>> -> memref<64xi32, #tpu.memory_space<vmem>>
      %dma_wait3A_386 = arith.constant 0 : i32
      %dma_wait3A_387 = arith.constant 0 : i32
      %dma_wait3A_388 = tpu.memref_slice %arg8[%dma_wait3A_386, %dma_wait3A_387] : memref<10240x128xf32, #tpu.memory_space<vmem_shared>> -> memref<10240x128xf32, #tpu.memory_space<vmem_shared>>
      %dma_wait3A_389 = tpu.memref_slice %arg10[%dma_wait3A_378] : memref<3x!tpu.dma_semaphore, #tpu.memory_space<semaphore_mem>> -> memref<1x!tpu.dma_semaphore, #tpu.memory_space<semaphore_mem>>
      %dma_wait3A_390 = tpu.memref_squeeze %dma_wait3A_389 : memref<1x!tpu.dma_semaphore, #tpu.memory_space<semaphore_mem>> -> memref<!tpu.dma_semaphore, #tpu.memory_space<semaphore_mem>>
      tpu.wait_indirect_dma semaphore(%dma_wait3A_390 : memref<!tpu.dma_semaphore, #tpu.memory_space<semaphore_mem>>) src(%dma_wait3A_382 : memref<64x128xf32, #tpu.memory_space<vmem>>) dst(%dma_wait3A_388 : memref<10240x128xf32, #tpu.memory_space<vmem_shared>>)
      %add3A_391 = arith.constant 1 : i32
      %add3A_392 = arith.addi %add3A_346, %add3A_391 : i32
      %dma_start3A_393 = arith.constant 2 : i32
      %dma_start3A_394 = arith.constant 2 : i32
      %dma_start3A_395 = arith.constant 0 : i32
      %dma_start3A_396 = arith.constant 0 : i32
      %dma_start3A_397 = tpu.memref_slice %arg7[%dma_start3A_393, %dma_start3A_395, %dma_start3A_396] : memref<3x64x128xf32, #tpu.memory_space<vmem>> -> memref<1x64x128xf32, #tpu.memory_space<vmem>>
      %dma_start3A_398 = tpu.memref_squeeze %dma_start3A_397 : memref<1x64x128xf32, #tpu.memory_space<vmem>> -> memref<64x128xf32, #tpu.memory_space<vmem>>
      %dma_start3A_399 = arith.constant 0 : i32
      %dma_start3A_400 = tpu.memref_slice %arg6[%add3A_392, %dma_start3A_399] : memref<159x128xi32, #tpu.memory_space<vmem>> -> memref<1x64xi32, #tpu.memory_space<vmem>>
      %dma_start3A_401 = tpu.memref_squeeze %dma_start3A_400 : memref<1x64xi32, #tpu.memory_space<vmem>> -> memref<64xi32, #tpu.memory_space<vmem>>
      %dma_start3A_402 = arith.constant 0 : i32
      %dma_start3A_403 = arith.constant 0 : i32
      %dma_start3A_404 = tpu.memref_slice %arg2[%dma_start3A_402, %dma_start3A_403] : memref<10240x128xf32, #tpu.memory_space<hbm>> -> memref<10240x128xf32, #tpu.memory_space<hbm>>
      %dma_start3A_405 = tpu.memref_slice %arg9[%dma_start3A_394] : memref<3x!tpu.dma_semaphore, #tpu.memory_space<semaphore_mem>> -> memref<1x!tpu.dma_semaphore, #tpu.memory_space<semaphore_mem>>
      %dma_start3A_406 = tpu.memref_squeeze %dma_start3A_405 : memref<1x!tpu.dma_semaphore, #tpu.memory_space<semaphore_mem>> -> memref<!tpu.dma_semaphore, #tpu.memory_space<semaphore_mem>>
      tpu.enqueue_indirect_dma source(%dma_start3A_404 : memref<10240x128xf32, #tpu.memory_space<hbm>>) target(%dma_start3A_398 : memref<64x128xf32, #tpu.memory_space<vmem>>) offsets(%dma_start3A_401 : memref<64xi32, #tpu.memory_space<vmem>>) semaphore(%dma_start3A_406 : memref<!tpu.dma_semaphore, #tpu.memory_space<semaphore_mem>>)
    }
    %scan3A_125 = arith.constant 52 : i32
    %dma_wait3A_126 = arith.constant 158 : i32
    %dma_wait3A_127 = arith.constant 2 : i32
    %dma_wait3A_128 = arith.constant 2 : i32
    %dma_wait3A_129 = arith.constant 0 : i32
    %dma_wait3A_130 = arith.constant 0 : i32
    %dma_wait3A_131 = tpu.memref_slice %arg7[%dma_wait3A_127, %dma_wait3A_129, %dma_wait3A_130] : memref<3x64x128xf32, #tpu.memory_space<vmem>> -> memref<1x64x128xf32, #tpu.memory_space<vmem>>
    %dma_wait3A_132 = tpu.memref_squeeze %dma_wait3A_131 : memref<1x64x128xf32, #tpu.memory_space<vmem>> -> memref<64x128xf32, #tpu.memory_space<vmem>>
    %dma_wait3A_133 = arith.constant 0 : i32
    %dma_wait3A_134 = tpu.memref_slice %arg6[%dma_wait3A_126, %dma_wait3A_133] : memref<159x128xi32, #tpu.memory_space<vmem>> -> memref<1x64xi32, #tpu.memory_space<vmem>>
    %dma_wait3A_135 = tpu.memref_squeeze %dma_wait3A_134 : memref<1x64xi32, #tpu.memory_space<vmem>> -> memref<64xi32, #tpu.memory_space<vmem>>
    %dma_wait3A_136 = arith.constant 0 : i32
    %dma_wait3A_137 = arith.constant 0 : i32
    %dma_wait3A_138 = tpu.memref_slice %arg2[%dma_wait3A_136, %dma_wait3A_137] : memref<10240x128xf32, #tpu.memory_space<hbm>> -> memref<10240x128xf32, #tpu.memory_space<hbm>>
    %dma_wait3A_139 = tpu.memref_slice %arg9[%dma_wait3A_128] : memref<3x!tpu.dma_semaphore, #tpu.memory_space<semaphore_mem>> -> memref<1x!tpu.dma_semaphore, #tpu.memory_space<semaphore_mem>>
    %dma_wait3A_140 = tpu.memref_squeeze %dma_wait3A_139 : memref<1x!tpu.dma_semaphore, #tpu.memory_space<semaphore_mem>> -> memref<!tpu.dma_semaphore, #tpu.memory_space<semaphore_mem>>
    tpu.wait_indirect_dma semaphore(%dma_wait3A_140 : memref<!tpu.dma_semaphore, #tpu.memory_space<semaphore_mem>>) src(%dma_wait3A_138 : memref<10240x128xf32, #tpu.memory_space<hbm>>) dst(%dma_wait3A_132 : memref<64x128xf32, #tpu.memory_space<vmem>>)
    %dma_start3A_141 = arith.constant 2 : i32
    %dma_start3A_142 = arith.constant 158 : i32
    %dma_start3A_143 = arith.constant 2 : i32
    %dma_start3A_144 = arith.constant 0 : i32
    %dma_start3A_145 = arith.constant 0 : i32
    %dma_start3A_146 = tpu.memref_slice %arg7[%dma_start3A_141, %dma_start3A_144, %dma_start3A_145] : memref<3x64x128xf32, #tpu.memory_space<vmem>> -> memref<1x64x128xf32, #tpu.memory_space<vmem>>
    %dma_start3A_147 = tpu.memref_squeeze %dma_start3A_146 : memref<1x64x128xf32, #tpu.memory_space<vmem>> -> memref<64x128xf32, #tpu.memory_space<vmem>>
    %dma_start3A_148 = arith.constant 64 : i32
    %dma_start3A_149 = tpu.memref_slice %arg6[%dma_start3A_142, %dma_start3A_148] : memref<159x128xi32, #tpu.memory_space<vmem>> -> memref<1x64xi32, #tpu.memory_space<vmem>>
    %dma_start3A_150 = tpu.memref_squeeze %dma_start3A_149 : memref<1x64xi32, #tpu.memory_space<vmem>> -> memref<64xi32, #tpu.memory_space<vmem>>
    %dma_start3A_151 = arith.constant 0 : i32
    %dma_start3A_152 = arith.constant 0 : i32
    %dma_start3A_153 = tpu.memref_slice %arg8[%dma_start3A_151, %dma_start3A_152] : memref<10240x128xf32, #tpu.memory_space<vmem_shared>> -> memref<10240x128xf32, #tpu.memory_space<vmem_shared>>
    %dma_start3A_154 = tpu.memref_slice %arg10[%dma_start3A_143] : memref<3x!tpu.dma_semaphore, #tpu.memory_space<semaphore_mem>> -> memref<1x!tpu.dma_semaphore, #tpu.memory_space<semaphore_mem>>
    %dma_start3A_155 = tpu.memref_squeeze %dma_start3A_154 : memref<1x!tpu.dma_semaphore, #tpu.memory_space<semaphore_mem>> -> memref<!tpu.dma_semaphore, #tpu.memory_space<semaphore_mem>>
    tpu.enqueue_indirect_dma source(%dma_start3A_147 : memref<64x128xf32, #tpu.memory_space<vmem>>) target(%dma_start3A_153 : memref<10240x128xf32, #tpu.memory_space<vmem_shared>>) offsets(%dma_start3A_150 : memref<64xi32, #tpu.memory_space<vmem>>) semaphore(%dma_start3A_155 : memref<!tpu.dma_semaphore, #tpu.memory_space<semaphore_mem>>) {add = true}
    %dma_wait3A_156 = arith.constant 0 : i32
    %dma_wait3A_157 = arith.constant 0 : i32
    %dma_wait3A_158 = arith.constant 0 : i32
    %dma_wait3A_159 = arith.constant 0 : i32
    %dma_wait3A_160 = arith.constant 0 : i32
    %dma_wait3A_161 = tpu.memref_slice %arg7[%dma_wait3A_156, %dma_wait3A_159, %dma_wait3A_160] : memref<3x64x128xf32, #tpu.memory_space<vmem>> -> memref<1x64x128xf32, #tpu.memory_space<vmem>>
    %dma_wait3A_162 = tpu.memref_squeeze %dma_wait3A_161 : memref<1x64x128xf32, #tpu.memory_space<vmem>> -> memref<64x128xf32, #tpu.memory_space<vmem>>
    %dma_wait3A_163 = arith.constant 64 : i32
    %dma_wait3A_164 = tpu.memref_slice %arg6[%dma_wait3A_157, %dma_wait3A_163] : memref<159x128xi32, #tpu.memory_space<vmem>> -> memref<1x64xi32, #tpu.memory_space<vmem>>
    %dma_wait3A_165 = tpu.memref_squeeze %dma_wait3A_164 : memref<1x64xi32, #tpu.memory_space<vmem>> -> memref<64xi32, #tpu.memory_space<vmem>>
    %dma_wait3A_166 = arith.constant 0 : i32
    %dma_wait3A_167 = arith.constant 0 : i32
    %dma_wait3A_168 = tpu.memref_slice %arg8[%dma_wait3A_166, %dma_wait3A_167] : memref<10240x128xf32, #tpu.memory_space<vmem_shared>> -> memref<10240x128xf32, #tpu.memory_space<vmem_shared>>
    %dma_wait3A_169 = tpu.memref_slice %arg10[%dma_wait3A_158] : memref<3x!tpu.dma_semaphore, #tpu.memory_space<semaphore_mem>> -> memref<1x!tpu.dma_semaphore, #tpu.memory_space<semaphore_mem>>
    %dma_wait3A_170 = tpu.memref_squeeze %dma_wait3A_169 : memref<1x!tpu.dma_semaphore, #tpu.memory_space<semaphore_mem>> -> memref<!tpu.dma_semaphore, #tpu.memory_space<semaphore_mem>>
    tpu.wait_indirect_dma semaphore(%dma_wait3A_170 : memref<!tpu.dma_semaphore, #tpu.memory_space<semaphore_mem>>) src(%dma_wait3A_162 : memref<64x128xf32, #tpu.memory_space<vmem>>) dst(%dma_wait3A_168 : memref<10240x128xf32, #tpu.memory_space<vmem_shared>>)
    %dma_wait3A_171 = arith.constant 1 : i32
    %dma_wait3A_172 = arith.constant 0 : i32
    %dma_wait3A_173 = arith.constant 1 : i32
    %dma_wait3A_174 = arith.constant 0 : i32
    %dma_wait3A_175 = arith.constant 0 : i32
    %dma_wait3A_176 = tpu.memref_slice %arg7[%dma_wait3A_171, %dma_wait3A_174, %dma_wait3A_175] : memref<3x64x128xf32, #tpu.memory_space<vmem>> -> memref<1x64x128xf32, #tpu.memory_space<vmem>>
    %dma_wait3A_177 = tpu.memref_squeeze %dma_wait3A_176 : memref<1x64x128xf32, #tpu.memory_space<vmem>> -> memref<64x128xf32, #tpu.memory_space<vmem>>
    %dma_wait3A_178 = arith.constant 64 : i32
    %dma_wait3A_179 = tpu.memref_slice %arg6[%dma_wait3A_172, %dma_wait3A_178] : memref<159x128xi32, #tpu.memory_space<vmem>> -> memref<1x64xi32, #tpu.memory_space<vmem>>
    %dma_wait3A_180 = tpu.memref_squeeze %dma_wait3A_179 : memref<1x64xi32, #tpu.memory_space<vmem>> -> memref<64xi32, #tpu.memory_space<vmem>>
    %dma_wait3A_181 = arith.constant 0 : i32
    %dma_wait3A_182 = arith.constant 0 : i32
    %dma_wait3A_183 = tpu.memref_slice %arg8[%dma_wait3A_181, %dma_wait3A_182] : memref<10240x128xf32, #tpu.memory_space<vmem_shared>> -> memref<10240x128xf32, #tpu.memory_space<vmem_shared>>
    %dma_wait3A_184 = tpu.memref_slice %arg10[%dma_wait3A_173] : memref<3x!tpu.dma_semaphore, #tpu.memory_space<semaphore_mem>> -> memref<1x!tpu.dma_semaphore, #tpu.memory_space<semaphore_mem>>
    %dma_wait3A_185 = tpu.memref_squeeze %dma_wait3A_184 : memref<1x!tpu.dma_semaphore, #tpu.memory_space<semaphore_mem>> -> memref<!tpu.dma_semaphore, #tpu.memory_space<semaphore_mem>>
    tpu.wait_indirect_dma semaphore(%dma_wait3A_185 : memref<!tpu.dma_semaphore, #tpu.memory_space<semaphore_mem>>) src(%dma_wait3A_177 : memref<64x128xf32, #tpu.memory_space<vmem>>) dst(%dma_wait3A_183 : memref<10240x128xf32, #tpu.memory_space<vmem_shared>>)
    %dma_wait3A_186 = arith.constant 2 : i32
    %dma_wait3A_187 = arith.constant 0 : i32
    %dma_wait3A_188 = arith.constant 2 : i32
    %dma_wait3A_189 = arith.constant 0 : i32
    %dma_wait3A_190 = arith.constant 0 : i32
    %dma_wait3A_191 = tpu.memref_slice %arg7[%dma_wait3A_186, %dma_wait3A_189, %dma_wait3A_190] : memref<3x64x128xf32, #tpu.memory_space<vmem>> -> memref<1x64x128xf32, #tpu.memory_space<vmem>>
    %dma_wait3A_192 = tpu.memref_squeeze %dma_wait3A_191 : memref<1x64x128xf32, #tpu.memory_space<vmem>> -> memref<64x128xf32, #tpu.memory_space<vmem>>
    %dma_wait3A_193 = arith.constant 64 : i32
    %dma_wait3A_194 = tpu.memref_slice %arg6[%dma_wait3A_187, %dma_wait3A_193] : memref<159x128xi32, #tpu.memory_space<vmem>> -> memref<1x64xi32, #tpu.memory_space<vmem>>
    %dma_wait3A_195 = tpu.memref_squeeze %dma_wait3A_194 : memref<1x64xi32, #tpu.memory_space<vmem>> -> memref<64xi32, #tpu.memory_space<vmem>>
    %dma_wait3A_196 = arith.constant 0 : i32
    %dma_wait3A_197 = arith.constant 0 : i32
    %dma_wait3A_198 = tpu.memref_slice %arg8[%dma_wait3A_196, %dma_wait3A_197] : memref<10240x128xf32, #tpu.memory_space<vmem_shared>> -> memref<10240x128xf32, #tpu.memory_space<vmem_shared>>
    %dma_wait3A_199 = tpu.memref_slice %arg10[%dma_wait3A_188] : memref<3x!tpu.dma_semaphore, #tpu.memory_space<semaphore_mem>> -> memref<1x!tpu.dma_semaphore, #tpu.memory_space<semaphore_mem>>
    %dma_wait3A_200 = tpu.memref_squeeze %dma_wait3A_199 : memref<1x!tpu.dma_semaphore, #tpu.memory_space<semaphore_mem>> -> memref<!tpu.dma_semaphore, #tpu.memory_space<semaphore_mem>>
    tpu.wait_indirect_dma semaphore(%dma_wait3A_200 : memref<!tpu.dma_semaphore, #tpu.memory_space<semaphore_mem>>) src(%dma_wait3A_192 : memref<64x128xf32, #tpu.memory_space<vmem>>) dst(%dma_wait3A_198 : memref<10240x128xf32, #tpu.memory_space<vmem_shared>>)
    %barrier3A_201 = arith.constant 0 : index
    tpu.barrier barrier_id(%barrier3A_201)
    %mul3A_202 = arith.constant 10240 : i32
    %mul3A_203 = arith.muli %arg0, %mul3A_202 : i32
    %add3A_204 = arith.addi %mul3A_203, %mul3A_2 : i32
    "tpu.region"() ({
      %run_scoped3A = tpu.sem_alloc : memref<!tpu.dma_semaphore, #tpu.memory_space<semaphore_mem>>
      %dma_start3A_205 = arith.constant 0 : i32
      %dma_start3A_206 = tpu.memref_slice %arg5[%add3A_204, %dma_start3A_205] : memref<20480x128xf32, #tpu.memory_space<hbm>> -> memref<640x128xf32, #tpu.memory_space<hbm>>
      %dma_start3A_207 = arith.constant 0 : i32
      %dma_start3A_208 = tpu.memref_slice %arg8[%mul3A_2, %dma_start3A_207] : memref<10240x128xf32, #tpu.memory_space<vmem_shared>> -> memref<640x128xf32, #tpu.memory_space<vmem_shared>>
      tpu.enqueue_dma source(%dma_start3A_208 : memref<640x128xf32, #tpu.memory_space<vmem_shared>>) target(%dma_start3A_206 : memref<640x128xf32, #tpu.memory_space<hbm>>) target_semaphore(%run_scoped3A : memref<!tpu.dma_semaphore, #tpu.memory_space<semaphore_mem>>)
      %dma_wait3A_209 = arith.constant 0 : i32
      %dma_wait3A_210 = tpu.memref_slice %arg5[%add3A_204, %dma_wait3A_209] : memref<20480x128xf32, #tpu.memory_space<hbm>> -> memref<640x128xf32, #tpu.memory_space<hbm>>
      %dma_wait3A_211 = arith.constant 0 : i32
      %dma_wait3A_212 = tpu.memref_slice %arg8[%mul3A_2, %dma_wait3A_211] : memref<10240x128xf32, #tpu.memory_space<vmem_shared>> -> memref<640x128xf32, #tpu.memory_space<vmem_shared>>
      tpu.wait_dma2 semaphore(%run_scoped3A : memref<!tpu.dma_semaphore, #tpu.memory_space<semaphore_mem>>) src(%dma_wait3A_212 : memref<640x128xf32, #tpu.memory_space<vmem_shared>>) dst(%dma_wait3A_210 : memref<640x128xf32, #tpu.memory_space<hbm>>)
      tpu.yield
    }) : () -> ()
    return
  }
}

module attributes {stable_mosaic.version = 14 : i64} {
  func.func @body(%arg0: memref<32x10240xf32, #tpu.memory_space<vmem>>, %arg1: memref<10240x128xf32, #tpu.memory_space<vmem>>, %arg2: memref<128x128xf32, #tpu.memory_space<vmem>>, %arg3: memref<10240x128xf32, #tpu.memory_space<vmem>>) attributes {dimension_semantics = [], scalar_prefetch = 0 : i64, scratch_operands = 0 : i64, tpu.core_type = #tpu.core_type<tc>} {
    %get3A = arith.constant 0 : index
    %get3A_0 = arith.constant 0 : index
    %get3A_1 = vector.load %arg0[%get3A, %get3A_0] : memref<32x10240xf32, #tpu.memory_space<vmem>>, vector<32x10240xf32>
    %reduce_sum3A = arith.constant dense<0.000000e+00> : vector<10240xf32>
    %reduce_sum3A_2 = vector.multi_reduction <add>, %get3A_1, %reduce_sum3A [0] : vector<32x10240xf32> to vector<10240xf32>
    %add3A = arith.constant 1.000000e+00 : f32
    %add3A_3 = vector.broadcast %add3A : f32 to vector<10240xf32>
    %add3A_4 = arith.addf %reduce_sum3A_2, %add3A_3 : vector<10240xf32>
    %rsqrt3A = math.rsqrt %add3A_4 : vector<10240xf32>
    %get3A_5 = arith.constant 0 : index
    %get3A_6 = arith.constant 0 : index
    %get3A_7 = vector.load %arg1[%get3A_5, %get3A_6] : memref<10240x128xf32, #tpu.memory_space<vmem>>, vector<10240x128xf32>
    %get3A_8 = arith.constant 0 : index
    %get3A_9 = arith.constant 0 : index
    %get3A_10 = vector.load %arg2[%get3A_8, %get3A_9] : memref<128x128xf32, #tpu.memory_space<vmem>>, vector<128x128xf32>
    %dot_general3A = arith.constant dense<0.000000e+00> : vector<10240x128xf32>
    %dot_general3A_11 = tpu.matmul %get3A_7, %get3A_10, %dot_general3A {dimension_numbers = #tpu.dot_dimension_numbers<[1], [0], [0], [1], [0, 0, 1, 1], [], []>, precision = #tpu.contract_precision<fp32>, transpose_lhs_hint = false} : vector<10240x128xf32>, vector<128x128xf32>, vector<10240x128xf32> -> vector<10240x128xf32>
    %broadcast_in_dim3A = vector.shape_cast %rsqrt3A : vector<10240xf32> to vector<10240x1xf32>
    %mul3A = vector.broadcast %broadcast_in_dim3A : vector<10240x1xf32> to vector<10240x128xf32>
    %mul3A_12 = arith.mulf %dot_general3A_11, %mul3A : vector<10240x128xf32>
    %swap3A = arith.constant 0 : index
    %swap3A_13 = arith.constant 0 : index
    %swap3A_14 = vector.load %arg3[%swap3A, %swap3A_13] : memref<10240x128xf32, #tpu.memory_space<vmem>>, vector<10240x128xf32>
    tpu.vector_store %arg3[%swap3A, %swap3A_13], %mul3A_12 {strides = array<i32>} : memref<10240x128xf32, #tpu.memory_space<vmem>>, vector<10240x128xf32>,
    return
  }
}

module attributes {stable_mosaic.version = 14 : i64} {
  func.func @body(%arg0: memref<32x10240xf32, #tpu.memory_space<vmem>>, %arg1: memref<20480x128xf32, #tpu.memory_space<vmem>>, %arg2: memref<10240x128xf32, #tpu.memory_space<vmem>>, %arg3: memref<128xf32, #tpu.memory_space<vmem>>, %arg4: memref<128x128xf32, #tpu.memory_space<vmem>>, %arg5: memref<10240x128xf32, #tpu.memory_space<vmem>>) attributes {dimension_semantics = [], scalar_prefetch = 0 : i64, scratch_operands = 0 : i64, tpu.core_type = #tpu.core_type<tc>} {
    %get3A = arith.constant 0 : index
    %get3A_0 = arith.constant 0 : index
    %get3A_1 = vector.load %arg0[%get3A, %get3A_0] : memref<32x10240xf32, #tpu.memory_space<vmem>>, vector<32x10240xf32>
    %reduce_sum3A = arith.constant dense<0.000000e+00> : vector<10240xf32>
    %reduce_sum3A_2 = vector.multi_reduction <add>, %get3A_1, %reduce_sum3A [0] : vector<32x10240xf32> to vector<10240xf32>
    %add3A = arith.constant 1.000000e+00 : f32
    %add3A_3 = vector.broadcast %add3A : f32 to vector<10240xf32>
    %add3A_4 = arith.addf %reduce_sum3A_2, %add3A_3 : vector<10240xf32>
    %rsqrt3A = math.rsqrt %add3A_4 : vector<10240xf32>
    %get3A_5 = arith.constant 0 : index
    %get3A_6 = arith.constant 0 : index
    %get3A_7 = vector.load %arg1[%get3A_5, %get3A_6] : memref<20480x128xf32, #tpu.memory_space<vmem>>, vector<10240x128xf32>
    %get3A_8 = arith.constant 10240 : index
    %get3A_9 = arith.constant 0 : index
    %get3A_10 = vector.load %arg1[%get3A_8, %get3A_9] : memref<20480x128xf32, #tpu.memory_space<vmem>>, vector<10240x128xf32>
    %add3A_11 = arith.addf %get3A_7, %get3A_10 : vector<10240x128xf32>
    %get3A_12 = arith.constant 0 : index
    %get3A_13 = arith.constant 0 : index
    %get3A_14 = vector.load %arg2[%get3A_12, %get3A_13] : memref<10240x128xf32, #tpu.memory_space<vmem>>, vector<10240x128xf32>
    %add3A_15 = arith.addf %add3A_11, %get3A_14 : vector<10240x128xf32>
    %broadcast_in_dim3A = vector.shape_cast %rsqrt3A : vector<10240xf32> to vector<10240x1xf32>
    %mul3A = vector.broadcast %broadcast_in_dim3A : vector<10240x1xf32> to vector<10240x128xf32>
    %mul3A_16 = arith.mulf %add3A_15, %mul3A : vector<10240x128xf32>
    %get3A_17 = arith.constant 0 : index
    %get3A_18 = vector.load %arg3[%get3A_17] : memref<128xf32, #tpu.memory_space<vmem>>, vector<128xf32>
    %broadcast_in_dim3A_19 = vector.shape_cast %get3A_18 : vector<128xf32> to vector<1x128xf32>
    %add3A_20 = vector.broadcast %broadcast_in_dim3A_19 : vector<1x128xf32> to vector<10240x128xf32>
    %add3A_21 = arith.addf %mul3A_16, %add3A_20 : vector<10240x128xf32>
    %max3A = arith.constant 0.000000e+00 : f32
    %max3A_22 = vector.broadcast %max3A : f32 to vector<10240x128xf32>
    %max3A_23 = arith.maximumf %add3A_21, %max3A_22 : vector<10240x128xf32>
    %get3A_24 = arith.constant 0 : index
    %get3A_25 = arith.constant 0 : index
    %get3A_26 = vector.load %arg4[%get3A_24, %get3A_25] : memref<128x128xf32, #tpu.memory_space<vmem>>, vector<128x128xf32>
    %dot_general3A = arith.constant dense<0.000000e+00> : vector<10240x128xf32>
    %dot_general3A_27 = tpu.matmul %max3A_23, %get3A_26, %dot_general3A {dimension_numbers = #tpu.dot_dimension_numbers<[1], [0], [0], [1], [0, 0, 1, 1], [], []>, precision = #tpu.contract_precision<fp32>, transpose_lhs_hint = false} : vector<10240x128xf32>, vector<128x128xf32>, vector<10240x128xf32> -> vector<10240x128xf32>
    %broadcast_in_dim3A_28 = vector.shape_cast %rsqrt3A : vector<10240xf32> to vector<10240x1xf32>
    %mul3A_29 = vector.broadcast %broadcast_in_dim3A_28 : vector<10240x1xf32> to vector<10240x128xf32>
    %mul3A_30 = arith.mulf %dot_general3A_27, %mul3A_29 : vector<10240x128xf32>
    %swap3A = arith.constant 0 : index
    %swap3A_31 = arith.constant 0 : index
    %swap3A_32 = vector.load %arg5[%swap3A, %swap3A_31] : memref<10240x128xf32, #tpu.memory_space<vmem>>, vector<10240x128xf32>
    tpu.vector_store %arg5[%swap3A, %swap3A_31], %mul3A_30 {strides = array<i32>} : memref<10240x128xf32, #tpu.memory_space<vmem>>, vector<10240x128xf32>,
    return
  }
}

module attributes {stable_mosaic.version = 14 : i64} {
  func.func @body(%arg0: memref<32x10240xf32, #tpu.memory_space<vmem>>, %arg1: memref<20480x128xf32, #tpu.memory_space<vmem>>, %arg2: memref<10240x128xf32, #tpu.memory_space<vmem>>, %arg3: memref<128xf32, #tpu.memory_space<vmem>>, %arg4: memref<10240x128xf32, #tpu.memory_space<vmem>>) attributes {dimension_semantics = [], scalar_prefetch = 0 : i64, scratch_operands = 0 : i64, tpu.core_type = #tpu.core_type<tc>} {
    %get3A = arith.constant 0 : index
    %get3A_0 = arith.constant 0 : index
    %get3A_1 = vector.load %arg0[%get3A, %get3A_0] : memref<32x10240xf32, #tpu.memory_space<vmem>>, vector<32x10240xf32>
    %reduce_sum3A = arith.constant dense<0.000000e+00> : vector<10240xf32>
    %reduce_sum3A_2 = vector.multi_reduction <add>, %get3A_1, %reduce_sum3A [0] : vector<32x10240xf32> to vector<10240xf32>
    %add3A = arith.constant 1.000000e+00 : f32
    %add3A_3 = vector.broadcast %add3A : f32 to vector<10240xf32>
    %add3A_4 = arith.addf %reduce_sum3A_2, %add3A_3 : vector<10240xf32>
    %rsqrt3A = math.rsqrt %add3A_4 : vector<10240xf32>
    %get3A_5 = arith.constant 0 : index
    %get3A_6 = arith.constant 0 : index
    %get3A_7 = vector.load %arg1[%get3A_5, %get3A_6] : memref<20480x128xf32, #tpu.memory_space<vmem>>, vector<10240x128xf32>
    %get3A_8 = arith.constant 10240 : index
    %get3A_9 = arith.constant 0 : index
    %get3A_10 = vector.load %arg1[%get3A_8, %get3A_9] : memref<20480x128xf32, #tpu.memory_space<vmem>>, vector<10240x128xf32>
    %add3A_11 = arith.addf %get3A_7, %get3A_10 : vector<10240x128xf32>
    %get3A_12 = arith.constant 0 : index
    %get3A_13 = arith.constant 0 : index
    %get3A_14 = vector.load %arg2[%get3A_12, %get3A_13] : memref<10240x128xf32, #tpu.memory_space<vmem>>, vector<10240x128xf32>
    %add3A_15 = arith.addf %add3A_11, %get3A_14 : vector<10240x128xf32>
    %broadcast_in_dim3A = vector.shape_cast %rsqrt3A : vector<10240xf32> to vector<10240x1xf32>
    %mul3A = vector.broadcast %broadcast_in_dim3A : vector<10240x1xf32> to vector<10240x128xf32>
    %mul3A_16 = arith.mulf %add3A_15, %mul3A : vector<10240x128xf32>
    %get3A_17 = arith.constant 0 : index
    %get3A_18 = vector.load %arg3[%get3A_17] : memref<128xf32, #tpu.memory_space<vmem>>, vector<128xf32>
    %broadcast_in_dim3A_19 = vector.shape_cast %get3A_18 : vector<128xf32> to vector<1x128xf32>
    %add3A_20 = vector.broadcast %broadcast_in_dim3A_19 : vector<1x128xf32> to vector<10240x128xf32>
    %add3A_21 = arith.addf %mul3A_16, %add3A_20 : vector<10240x128xf32>
    %swap3A = arith.constant 0 : index
    %swap3A_22 = arith.constant 0 : index
    %swap3A_23 = vector.load %arg4[%swap3A, %swap3A_22] : memref<10240x128xf32, #tpu.memory_space<vmem>>, vector<10240x128xf32>
    tpu.vector_store %arg4[%swap3A, %swap3A_22], %add3A_21 {strides = array<i32>} : memref<10240x128xf32, #tpu.memory_space<vmem>>, vector<10240x128xf32>,
    return
  }
}

</mosaic_0001>

<sc_bundles>
// kernel: kernel.11.cloned.1.call-start
scs
__scs_entry_jumppad:
0x0: {  	(pc) =	sbr.rel $0x88, $3  }
0x1: {  	(tag) =	ssettag $0x0;
	lr =	simm.s32 $0x1  }
0x2: {  	[smem:$0x3F9B] =	sst lr;
	_ =	strace $0xD0000000  }
0x3: {  	_ = 	snop  }
0x4: {  	_ = 	snop  }
0x5: {  	_ = 	snop  }
0x6: {  	_ = 	snop  }
0x7: {  	_ = 	snop  }
__scs_overlays_trampoline_lowered:
0x8: {  	[smem:$0x3FAA] =	sst s0  }
0x9: {  	[smem:$0x3FAB] =	sst s1  }
0xa: {  	[smem:$0x3FAC] =	sst s2  }
0xb: {  	[smem:$0x3FAD] =	sst s3  }
0xc: {  	[smem:$0x3FAE] =	sst s4  }
0xd: {  	[smem:$0x3FAF] =	sst s5  }
0xe: {  	[smem:$0x3FB0] =	sst s6  }
0xf: {  	[smem:$0x3FB1] =	sst s7  }
0x10: {  	[smem:$0x3FB2] =	sst s8  }
0x11: {  	[smem:$0x3FB3] =	sst s9;
	s0 =	simm.s32 @!p0 $0x0  }
0x12: {  	s1 =	sld [smem:$0x3F99];
	s0 =	simm.s32 @p0 $0x1  }
0x13: {  	[smem:$0x3FB4] =	sst s0;
	s0 =	simm.s32 @!p1 $0x0  }
0x14: {  	s2 =	sld [smem:$0x3F98];
	s0 =	simm.s32 @p1 $0x1  }
0x15: {  	[smem:$0x3FB5] =	sst s0;
	s0 =	simm.s32 @!p2 $0x0  }
0x16: {  	s3 =	sld [smem:$0x3FDB];
	s0 =	simm.s32 @p2 $0x1  }
0x17: {  	s4 =	simm.s32 $0x1BF5;
	[smem:$0x3FB7] =	sst s0  }
0x18: {  	s0 =	sld [smem:$0x3F9A];
	_ =	swait.ge [sflag:s4], $0x0  }
0x19: {  	s7 =	sld [smem:$0x3F9B]  }
0x1a: {  	s8 =	sadd.s32 $0xFFFFE003, lr  }
0x1b: {  	s9 =	sadd.s32 $0xFFFFFEF7, lr;
	s5 =	simm.s32 $0xFFFFFFFF;
	p2 =	slt.u32 s8, $0xFFFFF086  }
0x1c: {  	p1 =	slt.u32 s9, $0xF7A;
	s5 =	simm.s32 @!p2 $0x0  }
0x1d: {  	s5 =	simm.s32 @p1 $0x1;
	p0 =	seq.s32 s7, s2  }
0x1e: {  	s7 =	smul.u32 @!p0 $0xF7A, s2;
	p2 =	seq.s32 @!p0 s5, $0x0  }
0x1f: {  	s9 =	smul.u32 $0xF7A, s1;
	s8 =	simm.s32 @!p0 $0x1BF5;
	p2 =	por !p2, p0  }
0x20: {  	[sflag:s8] =	ssyncset.s32 @!p0 $0xFFFFF086;
	s6 =	sadd.s32 @!p0 s3, s7;
	s7 =	simm.s32 @!p0 $0x108  }
0x21: {  	s3 =	sadd.s32 s3, s9;
	s6 =	sadd.s32 @!p0 $0x88, s6;
	s7 =	simm.s32 @p2 $0x1082  }
0x22: {  	[simem:s7], [sflag:s8] =	dma.local @!p0 [hbm:s6], $0xF7A  }
0x23: {  	s9 =	sor.u32 $0xD0000000, s2;
	s6 =	simm.s32 $0x108;
	_ =	swait.ge @!p0 [sflag:s8], $0x0  }
0x24: {  	s3 =	sadd.s32 $0x88, s3;
	s6 =	simm.s32 @!p1 $0x1082;
	[sflag:s4] =	ssyncset.s32 $0xFFFFF086  }
0x25: {  	[simem:s6], [sflag:s4] =	dma.local [hbm:s3], $0xF7A  }
0x26: {  	[smem:$0x3F9B] =	sst s1;
	(tag) =	ssettag s2;
	_ =	strace s9  }
0x27: {  	s1 =	sld [smem:$0x3FAB]  }
0x28: {  	s2 =	sld [smem:$0x3FAC]  }
0x29: {  	s4 =	sld [smem:$0x3FAE]  }
0x2a: {  	p0 =	seq.s32 s5, $0x0;
	s5 =	sld [smem:$0x3FAF]  }
0x2b: {  	s6 =	sld [smem:$0x3FB0]  }
0x2c: {  	s7 =	sld [smem:$0x3FB1]  }
0x2d: {  	s3 =	simm.s32 $0x108;
	s8 =	sld [smem:$0x3FB2]  }
0x2e: {  	s3 =	simm.s32 @!p0 $0x1082;
	s9 =	sld [smem:$0x3FB3]  }
0x2f: {  	lr =	sadd.s32 s0, s3;
	s0 =	sld [smem:$0x3FAA]  }
0x30: {  	s3 =	sld [smem:$0x3FAD]  }
0x31: {  	[smem:$0x3FB6] =	sst s10  }
0x32: {  	s10 =	sld [smem:$0x3FB4];
	_ =	sdelay $0x3  }
0x33: {  	p0 =	seq.s32 s10, $0x1;
	s10 =	sld [smem:$0x3FB6];
	_ =	sdelay $0x3  }
0x34: {  	[smem:$0x3FB6] =	sst s10  }
0x35: {  	s10 =	sld [smem:$0x3FB5];
	_ =	sdelay $0x3  }
0x36: {  	p1 =	seq.s32 s10, $0x1;
	s10 =	sld [smem:$0x3FB6];
	_ =	sdelay $0x3  }
0x37: {  	[smem:$0x3FB6] =	sst s10  }
0x38: {  	s10 =	sld [smem:$0x3FB7]  }
0x39: {  	_ = 	snop;
	(pc) =	sbr.ind lr, $3  }
0x3a: {  	_ = 	snop  }
0x3b: {  	_ = 	snop  }
0x3c: {  	p2 =	seq.s32 s10, $0x1;
	s10 =	sld [smem:$0x3FB6]  }
0x3d: {  	_ =	shalt  }
0x3e: {  	_ =	shalt  }
0x3f: {  	_ =	shalt  }
0x40: {  	_ =	shalt  }
0x41: {  	_ =	shalt  }
0x42: {  	_ =	shalt  }
0x43: {  	_ =	shalt  }
0x44: {  	_ =	shalt  }
0x45: {  	_ =	shalt  }
0x46: {  	_ =	shalt  }
0x47: {  	_ =	shalt  }
0x48: {  	_ =	shalt  }
0x49: {  	_ =	shalt  }
0x4a: {  	_ =	shalt  }
0x4b: {  	_ =	shalt  }
0x4c: {  	_ =	shalt  }
0x4d: {  	_ =	shalt  }
0x4e: {  	_ =	shalt  }
0x4f: {  	_ =	shalt  }
0x50: {  	_ =	shalt  }
0x51: {  	_ =	shalt  }
0x52: {  	_ =	shalt  }
0x53: {  	_ =	shalt  }
0x54: {  	_ =	shalt  }
0x55: {  	_ =	shalt  }
0x56: {  	_ =	shalt  }
0x57: {  	_ =	shalt  }
0x58: {  	_ =	shalt  }
0x59: {  	_ =	shalt  }
0x5a: {  	_ =	shalt  }
0x5b: {  	_ =	shalt  }
0x5c: {  	_ =	shalt  }
0x5d: {  	_ =	shalt  }
0x5e: {  	_ =	shalt  }
0x5f: {  	_ =	shalt  }
0x60: {  	_ =	shalt  }
0x61: {  	_ =	shalt  }
0x62: {  	_ =	shalt  }
0x63: {  	_ =	shalt  }
0x64: {  	_ =	shalt  }
0x65: {  	_ =	shalt  }
0x66: {  	_ =	shalt  }
0x67: {  	_ =	shalt  }
0x68: {  	_ =	shalt  }
0x69: {  	_ =	shalt  }
0x6a: {  	_ =	shalt  }
0x6b: {  	_ =	shalt  }
0x6c: {  	_ =	shalt  }
0x6d: {  	_ =	shalt  }
0x6e: {  	_ =	shalt  }
0x6f: {  	_ =	shalt  }
0x70: {  	_ =	shalt  }
0x71: {  	_ =	shalt  }
0x72: {  	_ =	shalt  }
0x73: {  	_ =	shalt  }
0x74: {  	_ =	shalt  }
0x75: {  	_ =	shalt  }
0x76: {  	_ =	shalt  }
0x77: {  	_ =	shalt  }
0x78: {  	_ =	shalt  }
0x79: {  	_ =	shalt  }
0x7a: {  	_ =	shalt  }
0x7b: {  	_ =	shalt  }
0x7c: {  	_ =	shalt  }
0x7d: {  	_ =	shalt  }
0x7e: {  	_ =	shalt  }
0x7f: {  	_ =	shalt  }
0x80: {  	_ =	shalt  }
0x81: {  	_ =	shalt  }
0x82: {  	_ =	shalt  }
0x83: {  	_ =	shalt  }
0x84: {  	_ =	shalt  }
0x85: {  	_ =	shalt  }
0x86: {  	_ =	shalt  }
0x87: {  	_ =	shalt  }
.Lfunc_end0:
.L_simem_size_0:
called_computation.1_lowered:
.L_overlay_start_0:
0x88: {  	s2 =	sld [smem:$0x3FD9]  }
0x89: {  	s3 =	sld [smem:$0x3FFE];
	_ =	sdelay $0x1  }
0x8a: {  	s1 =	srdreg.scid  }
0x8b: {  	s0 =	sand.u32 $0x1, s1  }
0x8c: {  	s17 =	sshll.u32 s0, $0xA;
	s2 =	sadd.s32 s3, s2  }
0x8d: {  	s2 =	sadd.s32 s2, s17  }
0x8e: {  	[smem:$0x3FC2] =	sst s2  }
0x8f: {  	_ = 	snop  }
0x90: {  	s2 =	sld [smem:$0x3FD0];
	(tm) =	ssettm $0x1  }
0x91: {  	s18 =	sld [smem:$0x3FFB];
	_ =	sdelay $0x3  }
0x92: {  	_ =	strace s18  }
0x93: {  	s3 =	sld [smem:$0x3FFC];
	_ =	sdelay $0x3  }
0x94: {  	_ =	strace s3  }
0x95: {  	s3 =	sld [smem:$0x3FFD];
	_ =	sdelay $0x3  }
0x96: {  	_ =	strace s3  }
0x97: {  	_ =	strace $0x8FFFFFFF  }
0x98: {  	s19 =	sld [smem:$0x3FDB];
	_ =	sdelay $0x1  }
0x99: {  	s4 =	simm.s32 $_scs_section_size  }
0x9a: {  	s5 =	simm.s32 $_size__tile_overlayer_lowered;
	s6 =	simm.s32 $_tile_overlayer_lowered  }
0x9b: {  	s22 =	simm.s32 $0x1BFF;
	s21 =	sshll.u32 s6, $0x1;
	s3 =	sadd.s32 s4, s19  }
0x9c: {  	s7 =	simm.s32 $0x0;
	s20 =	sshll.u32 s5, $0x1;
	s5 =	sadd.s32 s21, s3  }
0x9d: {  	[timem:s7], [sflag:s22] =	dma.local [hbm:s5], s20  }
0x9e: {  	_ =	swait.ge [sflag:s22], s20  }
0x9f: {  	s4 =	ssub.s32 $0x0, s20;
	[sflag:s22] =	ssyncset.done $0x0  }
0xa0: {  	[sflag:s22] =	ssyncadd.s32 s4;
	_ =	sdelay $0x1  }
0xa1: {  	s23 =	simm.s32 $0x1B8B  }
0xa2: {  	_ =	swait.ge [sflag:s23], $0x1  }
0xa3: {  	[sflag:s23] =	ssyncset.done $0x0  }
0xa4: {  	s25 =	simm.s32 $0x1B8E;
	s24 =	sld [smem:$0x3FFE];
	[sflag:s23] =	ssyncadd.s32 $0xFFFFFFFF  }
0xa5: {  	s26 =	simm.s32 $execute0_lowered;
	[smem:$0x3FD2] =	sst s25  }
0xa6: {  	s5 =	sshll.u32 s26, $0x1;
	_ =	strace $0x80000049;
	[dreg:$0x1] =	wrdreg $0xFFFFFFFF  }
0xa7: {  	s28 =	simm.s32 $_size_execute0_lowered;
	s3 =	sadd.s32 s3, s5;
	[dreg:$0x0] =	wrdreg $0x0  }
0xa8: {  	s5 =	sshll.u32 s28, $0x1;
	[dreg:$0x2] =	wrdreg s3  }
0xa9: {  	[dreg:$0x3] =	wrdreg s5  }
0xaa: {  	[dreg:$0x4] =	wrdreg $0xC0  }
0xab: {  	_ =	task [dreg:s7], $0x5FFFF  }
0xac: {  	[dreg:$0x1] =	wrdreg $0xFFFFFFFF  }
0xad: {  	[dreg:$0x0] =	wrdreg $0x60  }
0xae: {  	[dreg:$0x2] =	wrdreg s24  }
0xaf: {  	[dreg:$0x3] =	wrdreg s2  }
0xb0: {  	[dreg:$0x4] =	wrdreg $0xB0000  }
0xb1: {  	[dreg:$0x5] =	wrdreg $0x9  }
0xb2: {  	_ =	task.clear_ibuf [dreg:s7], $0x6FFFF;
	_ =	strace $0x90000049  }
0xb3: {  	s29 =	simm.s32 $0x9;
	_ =	strace $0x8000004B  }
0xb4: {  	_ =	swait.ge [sflag:s29], $0x1  }
0xb5: {  	[sflag:s29] =	ssyncadd.s32 $0xFFFFFFFF  }
0xb6: {  	_ =	strace $0x9000004B  }
0xb7: {  	_ =	sfence  }
0xb8: {  	s30 =	sld [smem:$0x0];
	_ =	sdelay $0x2  }
0xb9: {  	s31 =	sshll.u32 s1, $0xD;
	s1 =	sshrl.u32 s1, $0x2  }
0xba: {  	s3 =	sand.u32 $0x4000, s31;
	s1 =	sadd.s32 s1, s30  }
0xbb: {  	s0 =	sor.u32 s3, s0;
	s1 =	sshll.u32 s1, $0x11  }
0xbc: {  	s0 =	sor.u32 s1, s0  }
0xbd: {  	s0 =	sadd.s32 $0x8F2B, s0  }
0xbe: {  	[sflag:s0] =	ssyncadd.remote.s32 $0x1  }
0xbf: {  	_ =	sfence.sel $0xFFFF  }
0xc0: {  	[dreg:$0x0] =	wrdreg $0xFFFFFFFF;
	(pc) =	sbr.abs _section_cstart, $3  }
0xc1: {  	[dreg:$0x1] =	wrdreg $0xFFFFFFFF  }
0xc2: {  	_ =	task.clear_ibuf [dreg:s7], $0x2FFFF;
	_ =	strace $0x9FFFFFFF  }
0xc3: {  	(tm) =	ssettm $0x7FFFFFFF  }
tec
execute0_lowered:
.L_overlay_start_1:
0x0: {  	(tag) =	ssettag $0x1  }
0x1: {  	s5 =	rddreg [dreg:$0x0]  }
0x2: {  	s6 =	rddreg [dreg:$0x1]  }
0x3: {  	s2 =	rddreg [dreg:$0x2]  }
0x4: {  	s0 =	rddreg [dreg:$0x3]  }
0x5: {  	s3 =	simm.s32 $0x0;
	s1 =	stileid.u32;
	s4 =	srdreg.scid  }
0x6: {  	s13 =	simm.s32 $0x40;
	s14 =	simm.s32 $0x5000;
	s15 =	simm.s32 $0x1  }
0x7: {  	s16 =	simm.s32 $0x80;
	s17 =	simm.s32 $0x7000;
	s18 =	simm.s32 $0x2  }
0x8: {  	s19 =	simm.s32 $0xC0;
	s20 =	simm.s32 $0x100;
	s21 =	simm.s32 $0x9000  }
0x9: {  	s22 =	simm.s32 $0x3;
	s23 =	simm.s32 $0x4;
	s24 =	simm.s32 $0x5  }
0xa: {  	s28 =	simm.s32 $0x0;
	s7 =	smul.u32 $0x2800, s1;
	s8 =	sand.u32 $0x1, s4  }
0xb: {  	s25 =	sshll.u32 s1, $0x1;
	[smem:$0x7FF] =	sst s3;
	s11 =	smul.u32 $0x50000, s1  }
0xc: {  	s4 =	sadd.s32 $0x2400, s5;
	s31 =	sshll.u32 s1, $0x6;
	s9 =	smul.u32 $0x28000, s8  }
0xd: {  	s10 =	sor.u32 s8, s25;
	_ =	strace $0x8000004A;
	s8 =	ssub.s32 $0x2, s8  }
0xe: {  	s25 =	simm.s32 $0x6;
	s10 =	smul.u32 $0xA00, s10;
	s26 =	sshrl.u32 s8, $0x1  }
0xf: {  	s29 =	sshrl.u32 s11, $0x2;
	s11 =	simm.s32 $0x8;
	s9 =	sadd.s32 s7, s9  }
0x10: {  	s7 =	sadd.s32 s7, s5;
	s12 =	ssub.s32 s8, s26;
	s30 =	sadd.s32 s29, s2  }
0x11: {  	s26 =	simm.s32 $0x4F40;
	s9 =	sadd.s32 s9, s5;
	s5 =	sadd.s32 s6, s10  }
0x12: {  	s6 =	sadd.s32 $0x2A400, s7;
	s7 =	sor.u32 $0x1C08, s31;
	s10 =	sshrl.u32 s30, $0x3  }
0x13: {  	s8 =	sadd.s32 $0x52400, s9;
	s9 =	smax.u32 s12, $0x1;
	s12 =	simm.s32 $0x7  }
.LBB2_1:
0x14: {  	[tilespmem:s3], [sflag:$0x7] =	stream.linear.gather [hbm4b:s5+s3], $0x4F80, $0x38;
	[tilespmem:$0x1F000] =	vst v63  }
0x15: {  	[spmem:s10], [sflag:s7] =	dma.local [hbm:s6], $0x2800  }
0x16: {  	_ =	swait.ge [sflag:s11], $0x2800  }
0x17: {  	[sflag:s11] =	ssyncset.done $0x0  }
0x18: {  	[sflag:s11] =	ssyncadd.s32 $0xFFFFD800  }
0x19: {  	_ =	swait.ge [sflag:s12], $0x4F80  }
0x1a: {  	[sflag:s12] =	ssyncset.done $0x0  }
0x1b: {  	[sflag:s12] =	ssyncadd.s32 $0xFFFFB080  }
0x1c: {  	[bflag:$0x0] =	sbarrier.arrive $0xFFFF  }
0x1d: {  	[tilespmem:s14], [sflag:$0x1] =	stream.indirect.gather [hbm4b:s4+s13], $0x80, s3, s13, $0xb8;
	[tilespmem:$0x1F000] =	vst v63  }
0x1e: {  	_ =	swait.ge [sflag:s15], $0x2000  }
0x1f: {  	[sflag:s15] =	ssyncset.done $0x0  }
0x20: {  	[sflag:s15] =	ssyncadd.s32 $0xFFFFE000  }
0x21: {  	[spmem:s2] =	stream.indirect.scatter.add.f32 [tilespmem:s14], [sflag:$0x4], $0x80, s13, s13, $0xb8;
	[tilespmem:$0x1F000] =	vst v63  }
0x22: {  	_ = 	snop  }
0x23: {  	[tilespmem:s17], [sflag:$0x2] =	stream.indirect.gather [hbm4b:s4+s13], $0x80, s16, s13, $0xb8;
	[tilespmem:$0x1F000] =	vst v63  }
0x24: {  	_ =	swait.ge [sflag:s18], $0x2000  }
0x25: {  	[sflag:s18] =	ssyncset.done $0x0  }
0x26: {  	[sflag:s18] =	ssyncadd.s32 $0xFFFFE000  }
0x27: {  	[spmem:s2] =	stream.indirect.scatter.add.f32 [tilespmem:s17], [sflag:$0x5], $0x80, s19, s13, $0xb8;
	[tilespmem:$0x1F000] =	vst v63  }
0x28: {  	_ = 	snop  }
0x29: {  	[tilespmem:s21], [sflag:$0x3] =	stream.indirect.gather [hbm4b:s4+s13], $0x80, s20, s13, $0xb8;
	[tilespmem:$0x1F000] =	vst v63  }
0x2a: {  	_ =	swait.ge [sflag:s22], $0x2000  }
0x2b: {  	[sflag:s22] =	ssyncset.done $0x0  }
0x2c: {  	s29 =	simm.s32 $0x140;
	[sflag:s22] =	ssyncadd.s32 $0xFFFFE000  }
0x2d: {  	[spmem:s2] =	stream.indirect.scatter.add.f32 [tilespmem:s21], [sflag:$0x6], $0x80, s29, s13, $0xb8;
	[tilespmem:$0x1F000] =	vst v63  }
0x2e: {  	_ =	swait.ge [sflag:s23], $0x2000  }
0x2f: {  	[sflag:s23] =	ssyncset.done $0x0  }
0x30: {  	s29 =	simm.s32 $0x180;
	[sflag:s23] =	ssyncadd.s32 $0xFFFFE000  }
0x31: {  	[tilespmem:s14], [sflag:$0x1] =	stream.indirect.gather [hbm4b:s4+s13], $0x80, s29, s13, $0xb8;
	[tilespmem:$0x1F000] =	vst v63  }
0x32: {  	_ =	swait.ge [sflag:s15], $0x2000  }
0x33: {  	[sflag:s15] =	ssyncset.done $0x0  }
0x34: {  	s29 =	simm.s32 $0x1C0;
	[sflag:s15] =	ssyncadd.s32 $0xFFFFE000  }
0x35: {  	[spmem:s2] =	stream.indirect.scatter.add.f32 [tilespmem:s14], [sflag:$0x4], $0x80, s29, s13, $0xb8;
	[tilespmem:$0x1F000] =	vst v63  }
0x36: {  	_ =	swait.ge [sflag:s24], $0x2000  }
0x37: {  	[sflag:s24] =	ssyncset.done $0x0  }
0x38: {  	s29 =	simm.s32 $0x200;
	[sflag:s24] =	ssyncadd.s32 $0xFFFFE000  }
0x39: {  	[tilespmem:s17], [sflag:$0x2] =	stream.indirect.gather [hbm4b:s4+s13], $0x80, s29, s13, $0xb8;
	[tilespmem:$0x1F000] =	vst v63  }
0x3a: {  	_ =	swait.ge [sflag:s18], $0x2000  }
0x3b: {  	[sflag:s18] =	ssyncset.done $0x0  }
0x3c: {  	s29 =	simm.s32 $0x240;
	[sflag:s18] =	ssyncadd.s32 $0xFFFFE000  }
0x3d: {  	[spmem:s2] =	stream.indirect.scatter.add.f32 [tilespmem:s17], [sflag:$0x5], $0x80, s29, s13, $0xb8;
	[tilespmem:$0x1F000] =	vst v63  }
0x3e: {  	_ =	swait.ge [sflag:s25], $0x2000  }
0x3f: {  	[sflag:s25] =	ssyncset.done $0x0  }
0x40: {  	s30 =	simm.s32 $0x280;
	s29 =	simm.s32 $0x600;
	[sflag:s25] =	ssyncadd.s32 $0xFFFFE000  }
.LBB2_2:
0x41: {  	[tilespmem:s21], [sflag:$0x3] =	stream.indirect.gather [hbm4b:s4+s13], $0x80, s30, s13, $0xb8;
	[tilespmem:$0x1F000] =	vst v63  }
0x42: {  	s30 =	smov.u32 s29  }
0x43: {  	p0 =	sne.s32 s29, $0x13200;
	s29 =	sadd.s32 $0x600, s29;
	_ =	swait.ge [sflag:s22], $0x2000  }
0x44: {  	s30 =	sshra.s32 s30, $0x2;
	[sflag:s22] =	ssyncset.done $0x0  }
0x45: {  	s31 =	sadd.s32 $0x140, s30;
	[sflag:s22] =	ssyncadd.s32 $0xFFFFE000  }
0x46: {  	[spmem:s2] =	stream.indirect.scatter.add.f32 [tilespmem:s21], [sflag:$0x6], $0x80, s31, s13, $0xb8;
	[tilespmem:$0x1F000] =	vst v63  }
0x47: {  	_ =	swait.ge [sflag:s23], $0x2000  }
0x48: {  	[sflag:s23] =	ssyncset.done $0x0  }
0x49: {  	s31 =	sadd.s32 $0x180, s30;
	[sflag:s23] =	ssyncadd.s32 $0xFFFFE000  }
0x4a: {  	[tilespmem:s14], [sflag:$0x1] =	stream.indirect.gather [hbm4b:s4+s13], $0x80, s31, s13, $0xb8;
	[tilespmem:$0x1F000] =	vst v63  }
0x4b: {  	_ =	swait.ge [sflag:s15], $0x2000  }
0x4c: {  	[sflag:s15] =	ssyncset.done $0x0  }
0x4d: {  	s31 =	sadd.s32 $0x1C0, s30;
	[sflag:s15] =	ssyncadd.s32 $0xFFFFE000  }
0x4e: {  	[spmem:s2] =	stream.indirect.scatter.add.f32 [tilespmem:s14], [sflag:$0x4], $0x80, s31, s13, $0xb8;
	[tilespmem:$0x1F000] =	vst v63  }
0x4f: {  	_ =	swait.ge [sflag:s24], $0x2000  }
0x50: {  	[sflag:s24] =	ssyncset.done $0x0  }
0x51: {  	s31 =	sadd.s32 $0x200, s30;
	[sflag:s24] =	ssyncadd.s32 $0xFFFFE000  }
0x52: {  	[tilespmem:s17], [sflag:$0x2] =	stream.indirect.gather [hbm4b:s4+s13], $0x80, s31, s13, $0xb8;
	[tilespmem:$0x1F000] =	vst v63  }
0x53: {  	_ =	swait.ge [sflag:s18], $0x2000  }
0x54: {  	[sflag:s18] =	ssyncset.done $0x0  }
.Ltmp0:
0x55: {  	s31 =	sadd.s32 $0x240, s30;
	[sflag:s18] =	ssyncadd.s32 $0xFFFFE000;
	(pc) =	sbr.rel @p0 .LBB2_2-.Ltmp0, $4  }
0x56: {  	[spmem:s2] =	stream.indirect.scatter.add.f32 [tilespmem:s17], [sflag:$0x5], $0x80, s31, s13, $0xb8;
	[tilespmem:$0x1F000] =	vst v63  }
0x57: {  	_ =	swait.ge [sflag:s25], $0x2000  }
0x58: {  	[sflag:s25] =	ssyncset.done $0x0  }
0x59: {  	s30 =	sadd.s32 $0x280, s30;
	[sflag:s25] =	ssyncadd.s32 $0xFFFFE000  }
0x5a: {  	[tilespmem:s21], [sflag:$0x3] =	stream.indirect.gather [hbm4b:s4+s13], $0x80, s30, s13, $0xb8;
	[tilespmem:$0x1F000] =	vst v63  }
0x5b: {  	_ =	swait.ge [sflag:s22], $0x2000  }
0x5c: {  	[sflag:s22] =	ssyncset.done $0x0  }
0x5d: {  	[sflag:s22] =	ssyncadd.s32 $0xFFFFE000  }
0x5e: {  	[spmem:s2] =	stream.indirect.scatter.add.f32 [tilespmem:s21], [sflag:$0x6], $0x80, s26, s13, $0xb8;
	[tilespmem:$0x1F000] =	vst v63  }
0x5f: {  	_ =	swait.ge [sflag:s23], $0x2000  }
0x60: {  	[sflag:s23] =	ssyncset.done $0x0  }
0x61: {  	[sflag:s23] =	ssyncadd.s32 $0xFFFFE000  }
0x62: {  	_ =	swait.ge [sflag:s24], $0x2000  }
0x63: {  	[sflag:s24] =	ssyncset.done $0x0  }
0x64: {  	[sflag:s24] =	ssyncadd.s32 $0xFFFFE000  }
0x65: {  	_ =	swait.ge [sflag:s25], $0x2000  }
0x66: {  	s28 =	sadd.s32 $0x1, s28;
	[sflag:s25] =	ssyncset.done $0x0  }
0x67: {  	p0 =	sne.s32 s28, s9;
	[sflag:s25] =	ssyncadd.s32 $0xFFFFE000  }
.Ltmp1:
0x68: {  	[bflag:$0x0] =	sbarrier.arrive $0xFFFF;
	(pc) =	sbr.rel @p0 .LBB2_1-.Ltmp1, $4  }
0x69: {  	[hbm:s8], [sflag:s7] =	dma.local [spmem:s10], $0x2800  }
0x6a: {  	_ =	swait.ge [sflag:s11], $0x2800  }
0x6b: {  	[sflag:s11] =	ssyncset.done $0x0  }
0x6c: {  	[sflag:s11] =	ssyncadd.s32 $0xFFFFD800  }
0x6d: {  	_ =	sfence.sel $0x180000  }
0x6e: {  	[bflag:$0x0] =	sbarrier.arrive $0xFFFF  }
0x6f: {  	p0 =	sne.s32 s1, $0x0;
	_ =	strace $0x9000004A  }
0x70: {  	s0 =	sadd.s32 @!p0 $0x100000, s0;
	[bflag:$0x2] =	sbarrier.arrive $0xFFFF  }
0x71: {  	[sflag:s0] =	ssyncadd.tile.s32 @!p0 $0x1;
	_ =	shalt  }
.Lfunc_end2:
_tile_overlayer_lowered:
.L_overlay_start_2:
0x72: {  	(tag) =	ssettag $0x2  }
0x73: {  	s0 =	rddreg [dreg:$0x0];
	s2 =	stileid.u32  }
0x74: {  	s1 =	rddreg [dreg:$0x1];
	p0 =	sne.s32 s2, $0x0  }
0x75: {  	s3 =	rddreg [dreg:$0x2];
	[bflag:$0x3] =	sbarrier.arrive $0xFFFF;
	s2 =	simm.s32 @!p0 $0x1C08  }
0x76: {  	[timem:s3], [sflag:s2] =	dma.local @!p0 [hbm:s0], s1  }
0x77: {  	s0 =	simm.s32 @!p0 $0x8  }
0x78: {  	_ =	swait.ge @!p0 [sflag:s0], s1  }
0x79: {  	s1 =	ssub.s32 @!p0 $0x0, s1;
	[sflag:s0] =	ssyncset.done @!p0 $0x0  }
0x7a: {  	[sflag:s0] =	ssyncadd.s32 @!p0 s1  }
0x7b: {  	[bflag:$0x3] =	sbarrier.arrive $0xFFFF  }
0x7c: {  	_ =	shalt  }

// kernel: kernel.14.cloned.1.call-start
scs
__scs_entry_jumppad:
0x0: {  	(pc) =	sbr.rel $0x88, $3  }
0x1: {  	(tag) =	ssettag $0x0;
	lr =	simm.s32 $0x1  }
0x2: {  	[smem:$0x3F9B] =	sst lr;
	_ =	strace $0xD0000000  }
0x3: {  	_ = 	snop  }
0x4: {  	_ = 	snop  }
0x5: {  	_ = 	snop  }
0x6: {  	_ = 	snop  }
0x7: {  	_ = 	snop  }
__scs_overlays_trampoline_lowered:
0x8: {  	[smem:$0x3FAA] =	sst s0  }
0x9: {  	[smem:$0x3FAB] =	sst s1  }
0xa: {  	[smem:$0x3FAC] =	sst s2  }
0xb: {  	[smem:$0x3FAD] =	sst s3  }
0xc: {  	[smem:$0x3FAE] =	sst s4  }
0xd: {  	[smem:$0x3FAF] =	sst s5  }
0xe: {  	[smem:$0x3FB0] =	sst s6  }
0xf: {  	[smem:$0x3FB1] =	sst s7  }
0x10: {  	[smem:$0x3FB2] =	sst s8  }
0x11: {  	[smem:$0x3FB3] =	sst s9;
	s0 =	simm.s32 @!p0 $0x0  }
0x12: {  	s1 =	sld [smem:$0x3F99];
	s0 =	simm.s32 @p0 $0x1  }
0x13: {  	[smem:$0x3FB4] =	sst s0;
	s0 =	simm.s32 @!p1 $0x0  }
0x14: {  	s2 =	sld [smem:$0x3F98];
	s0 =	simm.s32 @p1 $0x1  }
0x15: {  	[smem:$0x3FB5] =	sst s0;
	s0 =	simm.s32 @!p2 $0x0  }
0x16: {  	s3 =	sld [smem:$0x3FDB];
	s0 =	simm.s32 @p2 $0x1  }
0x17: {  	s4 =	simm.s32 $0x1BF5;
	[smem:$0x3FB7] =	sst s0  }
0x18: {  	s0 =	sld [smem:$0x3F9A];
	_ =	swait.ge [sflag:s4], $0x0  }
0x19: {  	s7 =	sld [smem:$0x3F9B]  }
0x1a: {  	s8 =	sadd.s32 $0xFFFFE003, lr  }
0x1b: {  	s9 =	sadd.s32 $0xFFFFFEF7, lr;
	s5 =	simm.s32 $0xFFFFFFFF;
	p2 =	slt.u32 s8, $0xFFFFF086  }
0x1c: {  	p1 =	slt.u32 s9, $0xF7A;
	s5 =	simm.s32 @!p2 $0x0  }
0x1d: {  	s5 =	simm.s32 @p1 $0x1;
	p0 =	seq.s32 s7, s2  }
0x1e: {  	s7 =	smul.u32 @!p0 $0xF7A, s2;
	p2 =	seq.s32 @!p0 s5, $0x0  }
0x1f: {  	s9 =	smul.u32 $0xF7A, s1;
	s8 =	simm.s32 @!p0 $0x1BF5;
	p2 =	por !p2, p0  }
0x20: {  	[sflag:s8] =	ssyncset.s32 @!p0 $0xFFFFF086;
	s6 =	sadd.s32 @!p0 s3, s7;
	s7 =	simm.s32 @!p0 $0x108  }
0x21: {  	s3 =	sadd.s32 s3, s9;
	s6 =	sadd.s32 @!p0 $0x88, s6;
	s7 =	simm.s32 @p2 $0x1082  }
0x22: {  	[simem:s7], [sflag:s8] =	dma.local @!p0 [hbm:s6], $0xF7A  }
0x23: {  	s9 =	sor.u32 $0xD0000000, s2;
	s6 =	simm.s32 $0x108;
	_ =	swait.ge @!p0 [sflag:s8], $0x0  }
0x24: {  	s3 =	sadd.s32 $0x88, s3;
	s6 =	simm.s32 @!p1 $0x1082;
	[sflag:s4] =	ssyncset.s32 $0xFFFFF086  }
0x25: {  	[simem:s6], [sflag:s4] =	dma.local [hbm:s3], $0xF7A  }
0x26: {  	[smem:$0x3F9B] =	sst s1;
	(tag) =	ssettag s2;
	_ =	strace s9  }
0x27: {  	s1 =	sld [smem:$0x3FAB]  }
0x28: {  	s2 =	sld [smem:$0x3FAC]  }
0x29: {  	s4 =	sld [smem:$0x3FAE]  }
0x2a: {  	p0 =	seq.s32 s5, $0x0;
	s5 =	sld [smem:$0x3FAF]  }
0x2b: {  	s6 =	sld [smem:$0x3FB0]  }
0x2c: {  	s7 =	sld [smem:$0x3FB1]  }
0x2d: {  	s3 =	simm.s32 $0x108;
	s8 =	sld [smem:$0x3FB2]  }
0x2e: {  	s3 =	simm.s32 @!p0 $0x1082;
	s9 =	sld [smem:$0x3FB3]  }
0x2f: {  	lr =	sadd.s32 s0, s3;
	s0 =	sld [smem:$0x3FAA]  }
0x30: {  	s3 =	sld [smem:$0x3FAD]  }
0x31: {  	[smem:$0x3FB6] =	sst s10  }
0x32: {  	s10 =	sld [smem:$0x3FB4];
	_ =	sdelay $0x3  }
0x33: {  	p0 =	seq.s32 s10, $0x1;
	s10 =	sld [smem:$0x3FB6];
	_ =	sdelay $0x3  }
0x34: {  	[smem:$0x3FB6] =	sst s10  }
0x35: {  	s10 =	sld [smem:$0x3FB5];
	_ =	sdelay $0x3  }
0x36: {  	p1 =	seq.s32 s10, $0x1;
	s10 =	sld [smem:$0x3FB6];
	_ =	sdelay $0x3  }
0x37: {  	[smem:$0x3FB6] =	sst s10  }
0x38: {  	s10 =	sld [smem:$0x3FB7]  }
0x39: {  	_ = 	snop;
	(pc) =	sbr.ind lr, $3  }
0x3a: {  	_ = 	snop  }
0x3b: {  	_ = 	snop  }
0x3c: {  	p2 =	seq.s32 s10, $0x1;
	s10 =	sld [smem:$0x3FB6]  }
0x3d: {  	_ =	shalt  }
0x3e: {  	_ =	shalt  }
0x3f: {  	_ =	shalt  }
0x40: {  	_ =	shalt  }
0x41: {  	_ =	shalt  }
0x42: {  	_ =	shalt  }
0x43: {  	_ =	shalt  }
0x44: {  	_ =	shalt  }
0x45: {  	_ =	shalt  }
0x46: {  	_ =	shalt  }
0x47: {  	_ =	shalt  }
0x48: {  	_ =	shalt  }
0x49: {  	_ =	shalt  }
0x4a: {  	_ =	shalt  }
0x4b: {  	_ =	shalt  }
0x4c: {  	_ =	shalt  }
0x4d: {  	_ =	shalt  }
0x4e: {  	_ =	shalt  }
0x4f: {  	_ =	shalt  }
0x50: {  	_ =	shalt  }
0x51: {  	_ =	shalt  }
0x52: {  	_ =	shalt  }
0x53: {  	_ =	shalt  }
0x54: {  	_ =	shalt  }
0x55: {  	_ =	shalt  }
0x56: {  	_ =	shalt  }
0x57: {  	_ =	shalt  }
0x58: {  	_ =	shalt  }
0x59: {  	_ =	shalt  }
0x5a: {  	_ =	shalt  }
0x5b: {  	_ =	shalt  }
0x5c: {  	_ =	shalt  }
0x5d: {  	_ =	shalt  }
0x5e: {  	_ =	shalt  }
0x5f: {  	_ =	shalt  }
0x60: {  	_ =	shalt  }
0x61: {  	_ =	shalt  }
0x62: {  	_ =	shalt  }
0x63: {  	_ =	shalt  }
0x64: {  	_ =	shalt  }
0x65: {  	_ =	shalt  }
0x66: {  	_ =	shalt  }
0x67: {  	_ =	shalt  }
0x68: {  	_ =	shalt  }
0x69: {  	_ =	shalt  }
0x6a: {  	_ =	shalt  }
0x6b: {  	_ =	shalt  }
0x6c: {  	_ =	shalt  }
0x6d: {  	_ =	shalt  }
0x6e: {  	_ =	shalt  }
0x6f: {  	_ =	shalt  }
0x70: {  	_ =	shalt  }
0x71: {  	_ =	shalt  }
0x72: {  	_ =	shalt  }
0x73: {  	_ =	shalt  }
0x74: {  	_ =	shalt  }
0x75: {  	_ =	shalt  }
0x76: {  	_ =	shalt  }
0x77: {  	_ =	shalt  }
0x78: {  	_ =	shalt  }
0x79: {  	_ =	shalt  }
0x7a: {  	_ =	shalt  }
0x7b: {  	_ =	shalt  }
0x7c: {  	_ =	shalt  }
0x7d: {  	_ =	shalt  }
0x7e: {  	_ =	shalt  }
0x7f: {  	_ =	shalt  }
0x80: {  	_ =	shalt  }
0x81: {  	_ =	shalt  }
0x82: {  	_ =	shalt  }
0x83: {  	_ =	shalt  }
0x84: {  	_ =	shalt  }
0x85: {  	_ =	shalt  }
0x86: {  	_ =	shalt  }
0x87: {  	_ =	shalt  }
.Lfunc_end0:
.L_simem_size_0:
called_computation.2_lowered:
.L_overlay_start_0:
0x88: {  	s2 =	sld [smem:$0x3FD9]  }
0x89: {  	s3 =	sld [smem:$0x3FFE];
	_ =	sdelay $0x1  }
0x8a: {  	s1 =	srdreg.scid  }
0x8b: {  	s0 =	sand.u32 $0x1, s1  }
0x8c: {  	s17 =	sshll.u32 s0, $0xA;
	s2 =	sadd.s32 s3, s2  }
0x8d: {  	s2 =	sadd.s32 s2, s17  }
0x8e: {  	[smem:$0x3FC2] =	sst s2  }
0x8f: {  	_ = 	snop  }
0x90: {  	s2 =	sld [smem:$0x3FD0];
	(tm) =	ssettm $0x1  }
0x91: {  	s18 =	sld [smem:$0x3FFB];
	_ =	sdelay $0x3  }
0x92: {  	_ =	strace s18  }
0x93: {  	s3 =	sld [smem:$0x3FFC];
	_ =	sdelay $0x3  }
0x94: {  	_ =	strace s3  }
0x95: {  	s3 =	sld [smem:$0x3FFD];
	_ =	sdelay $0x3  }
0x96: {  	_ =	strace s3  }
0x97: {  	_ =	strace $0x8FFFFFFF  }
0x98: {  	s19 =	sld [smem:$0x3FDB];
	_ =	sdelay $0x1  }
0x99: {  	s4 =	simm.s32 $_scs_section_size  }
0x9a: {  	s5 =	simm.s32 $_size__tile_overlayer_lowered;
	s6 =	simm.s32 $_tile_overlayer_lowered  }
0x9b: {  	s22 =	simm.s32 $0x1BFF;
	s21 =	sshll.u32 s6, $0x1;
	s3 =	sadd.s32 s4, s19  }
0x9c: {  	s7 =	simm.s32 $0x0;
	s20 =	sshll.u32 s5, $0x1;
	s5 =	sadd.s32 s21, s3  }
0x9d: {  	[timem:s7], [sflag:s22] =	dma.local [hbm:s5], s20  }
0x9e: {  	_ =	swait.ge [sflag:s22], s20  }
0x9f: {  	s4 =	ssub.s32 $0x0, s20;
	[sflag:s22] =	ssyncset.done $0x0  }
0xa0: {  	[sflag:s22] =	ssyncadd.s32 s4;
	_ =	sdelay $0x1  }
0xa1: {  	s23 =	simm.s32 $0x1B8B  }
0xa2: {  	_ =	swait.ge [sflag:s23], $0x1  }
0xa3: {  	[sflag:s23] =	ssyncset.done $0x0  }
0xa4: {  	s25 =	simm.s32 $0x1B8E;
	s24 =	sld [smem:$0x3FFE];
	[sflag:s23] =	ssyncadd.s32 $0xFFFFFFFF  }
0xa5: {  	s26 =	simm.s32 $execute0_lowered;
	[smem:$0x3FD2] =	sst s25  }
0xa6: {  	s5 =	sshll.u32 s26, $0x1;
	_ =	strace $0x8000004C;
	[dreg:$0x1] =	wrdreg $0xFFFFFFFF  }
0xa7: {  	s28 =	simm.s32 $_size_execute0_lowered;
	s3 =	sadd.s32 s3, s5;
	[dreg:$0x0] =	wrdreg $0x0  }
0xa8: {  	s5 =	sshll.u32 s28, $0x1;
	[dreg:$0x2] =	wrdreg s3  }
0xa9: {  	[dreg:$0x3] =	wrdreg s5  }
0xaa: {  	[dreg:$0x4] =	wrdreg $0xC0  }
0xab: {  	_ =	task [dreg:s7], $0x5FFFF  }
0xac: {  	[dreg:$0x1] =	wrdreg $0xFFFFFFFF  }
0xad: {  	[dreg:$0x0] =	wrdreg $0x60  }
0xae: {  	[dreg:$0x2] =	wrdreg s24  }
0xaf: {  	[dreg:$0x3] =	wrdreg s2  }
0xb0: {  	[dreg:$0x4] =	wrdreg $0xB0000  }
0xb1: {  	[dreg:$0x5] =	wrdreg $0x9  }
0xb2: {  	_ =	task.clear_ibuf [dreg:s7], $0x6FFFF;
	_ =	strace $0x9000004C  }
0xb3: {  	s29 =	simm.s32 $0x9;
	_ =	strace $0x8000004E  }
0xb4: {  	_ =	swait.ge [sflag:s29], $0x1  }
0xb5: {  	[sflag:s29] =	ssyncadd.s32 $0xFFFFFFFF  }
0xb6: {  	_ =	strace $0x9000004E  }
0xb7: {  	_ =	sfence  }
0xb8: {  	s30 =	sld [smem:$0x0];
	_ =	sdelay $0x2  }
0xb9: {  	s31 =	sshll.u32 s1, $0xD;
	s1 =	sshrl.u32 s1, $0x2  }
0xba: {  	s3 =	sand.u32 $0x4000, s31;
	s1 =	sadd.s32 s1, s30  }
0xbb: {  	s0 =	sor.u32 s3, s0;
	s1 =	sshll.u32 s1, $0x11  }
0xbc: {  	s0 =	sor.u32 s1, s0  }
0xbd: {  	s0 =	sadd.s32 $0x8F2B, s0  }
0xbe: {  	[sflag:s0] =	ssyncadd.remote.s32 $0x1  }
0xbf: {  	_ =	sfence.sel $0xFFFF  }
0xc0: {  	[dreg:$0x0] =	wrdreg $0xFFFFFFFF;
	(pc) =	sbr.abs _section_cstart, $3  }
0xc1: {  	[dreg:$0x1] =	wrdreg $0xFFFFFFFF  }
0xc2: {  	_ =	task.clear_ibuf [dreg:s7], $0x2FFFF;
	_ =	strace $0x9FFFFFFF  }
0xc3: {  	(tm) =	ssettm $0x7FFFFFFF  }
tec
execute0_lowered:
.L_overlay_start_1:
0x0: {  	(tag) =	ssettag $0x1  }
0x1: {  	s5 =	rddreg [dreg:$0x0]  }
0x2: {  	s6 =	rddreg [dreg:$0x1]  }
0x3: {  	s2 =	rddreg [dreg:$0x2]  }
0x4: {  	s0 =	rddreg [dreg:$0x3]  }
0x5: {  	s3 =	simm.s32 $0x0;
	s1 =	stileid.u32;
	s4 =	srdreg.scid  }
0x6: {  	s13 =	simm.s32 $0x40;
	s14 =	simm.s32 $0x5000;
	s15 =	simm.s32 $0x1  }
0x7: {  	s16 =	simm.s32 $0x80;
	s17 =	simm.s32 $0x7000;
	s18 =	simm.s32 $0x2  }
0x8: {  	s19 =	simm.s32 $0xC0;
	s20 =	simm.s32 $0x100;
	s21 =	simm.s32 $0x9000  }
0x9: {  	s22 =	simm.s32 $0x3;
	s23 =	simm.s32 $0x4;
	s24 =	simm.s32 $0x5  }
0xa: {  	s28 =	simm.s32 $0x0;
	s7 =	smul.u32 $0x2800, s1;
	s8 =	sand.u32 $0x1, s4  }
0xb: {  	s25 =	sshll.u32 s1, $0x1;
	[smem:$0x7FF] =	sst s3;
	s11 =	smul.u32 $0x50000, s1  }
0xc: {  	s4 =	sadd.s32 $0x2400, s5;
	s31 =	sshll.u32 s1, $0x6;
	s9 =	smul.u32 $0x28000, s8  }
0xd: {  	s10 =	sor.u32 s8, s25;
	_ =	strace $0x8000004D;
	s8 =	ssub.s32 $0x2, s8  }
0xe: {  	s25 =	simm.s32 $0x6;
	s10 =	smul.u32 $0xA00, s10;
	s26 =	sshrl.u32 s8, $0x1  }
0xf: {  	s29 =	sshrl.u32 s11, $0x2;
	s11 =	simm.s32 $0x8;
	s9 =	sadd.s32 s7, s9  }
0x10: {  	s7 =	sadd.s32 s7, s5;
	s12 =	ssub.s32 s8, s26;
	s30 =	sadd.s32 s29, s2  }
0x11: {  	s26 =	simm.s32 $0x4F40;
	s9 =	sadd.s32 s9, s5;
	s5 =	sadd.s32 s6, s10  }
0x12: {  	s6 =	sadd.s32 $0x2A400, s7;
	s7 =	sor.u32 $0x1C08, s31;
	s10 =	sshrl.u32 s30, $0x3  }
0x13: {  	s8 =	sadd.s32 $0x52400, s9;
	s9 =	smax.u32 s12, $0x1;
	s12 =	simm.s32 $0x7  }
.LBB2_1:
0x14: {  	[tilespmem:s3], [sflag:$0x7] =	stream.linear.gather [hbm4b:s5+s3], $0x4F80, $0x38;
	[tilespmem:$0x1F000] =	vst v63  }
0x15: {  	[spmem:s10], [sflag:s7] =	dma.local [hbm:s6], $0x2800  }
0x16: {  	_ =	swait.ge [sflag:s11], $0x2800  }
0x17: {  	[sflag:s11] =	ssyncset.done $0x0  }
0x18: {  	[sflag:s11] =	ssyncadd.s32 $0xFFFFD800  }
0x19: {  	_ =	swait.ge [sflag:s12], $0x4F80  }
0x1a: {  	[sflag:s12] =	ssyncset.done $0x0  }
0x1b: {  	[sflag:s12] =	ssyncadd.s32 $0xFFFFB080  }
0x1c: {  	[bflag:$0x0] =	sbarrier.arrive $0xFFFF  }
0x1d: {  	[tilespmem:s14], [sflag:$0x1] =	stream.indirect.gather [hbm4b:s4+s13], $0x80, s3, s13, $0xb8;
	[tilespmem:$0x1F000] =	vst v63  }
0x1e: {  	_ =	swait.ge [sflag:s15], $0x2000  }
0x1f: {  	[sflag:s15] =	ssyncset.done $0x0  }
0x20: {  	[sflag:s15] =	ssyncadd.s32 $0xFFFFE000  }
0x21: {  	[spmem:s2] =	stream.indirect.scatter.add.f32 [tilespmem:s14], [sflag:$0x4], $0x80, s13, s13, $0xb8;
	[tilespmem:$0x1F000] =	vst v63  }
0x22: {  	_ = 	snop  }
0x23: {  	[tilespmem:s17], [sflag:$0x2] =	stream.indirect.gather [hbm4b:s4+s13], $0x80, s16, s13, $0xb8;
	[tilespmem:$0x1F000] =	vst v63  }
0x24: {  	_ =	swait.ge [sflag:s18], $0x2000  }
0x25: {  	[sflag:s18] =	ssyncset.done $0x0  }
0x26: {  	[sflag:s18] =	ssyncadd.s32 $0xFFFFE000  }
0x27: {  	[spmem:s2] =	stream.indirect.scatter.add.f32 [tilespmem:s17], [sflag:$0x5], $0x80, s19, s13, $0xb8;
	[tilespmem:$0x1F000] =	vst v63  }
0x28: {  	_ = 	snop  }
0x29: {  	[tilespmem:s21], [sflag:$0x3] =	stream.indirect.gather [hbm4b:s4+s13], $0x80, s20, s13, $0xb8;
	[tilespmem:$0x1F000] =	vst v63  }
0x2a: {  	_ =	swait.ge [sflag:s22], $0x2000  }
0x2b: {  	[sflag:s22] =	ssyncset.done $0x0  }
0x2c: {  	s29 =	simm.s32 $0x140;
	[sflag:s22] =	ssyncadd.s32 $0xFFFFE000  }
0x2d: {  	[spmem:s2] =	stream.indirect.scatter.add.f32 [tilespmem:s21], [sflag:$0x6], $0x80, s29, s13, $0xb8;
	[tilespmem:$0x1F000] =	vst v63  }
0x2e: {  	_ =	swait.ge [sflag:s23], $0x2000  }
0x2f: {  	[sflag:s23] =	ssyncset.done $0x0  }
0x30: {  	s29 =	simm.s32 $0x180;
	[sflag:s23] =	ssyncadd.s32 $0xFFFFE000  }
0x31: {  	[tilespmem:s14], [sflag:$0x1] =	stream.indirect.gather [hbm4b:s4+s13], $0x80, s29, s13, $0xb8;
	[tilespmem:$0x1F000] =	vst v63  }
0x32: {  	_ =	swait.ge [sflag:s15], $0x2000  }
0x33: {  	[sflag:s15] =	ssyncset.done $0x0  }
0x34: {  	s29 =	simm.s32 $0x1C0;
	[sflag:s15] =	ssyncadd.s32 $0xFFFFE000  }
0x35: {  	[spmem:s2] =	stream.indirect.scatter.add.f32 [tilespmem:s14], [sflag:$0x4], $0x80, s29, s13, $0xb8;
	[tilespmem:$0x1F000] =	vst v63  }
0x36: {  	_ =	swait.ge [sflag:s24], $0x2000  }
0x37: {  	[sflag:s24] =	ssyncset.done $0x0  }
0x38: {  	s29 =	simm.s32 $0x200;
	[sflag:s24] =	ssyncadd.s32 $0xFFFFE000  }
0x39: {  	[tilespmem:s17], [sflag:$0x2] =	stream.indirect.gather [hbm4b:s4+s13], $0x80, s29, s13, $0xb8;
	[tilespmem:$0x1F000] =	vst v63  }
0x3a: {  	_ =	swait.ge [sflag:s18], $0x2000  }
0x3b: {  	[sflag:s18] =	ssyncset.done $0x0  }
0x3c: {  	s29 =	simm.s32 $0x240;
	[sflag:s18] =	ssyncadd.s32 $0xFFFFE000  }
0x3d: {  	[spmem:s2] =	stream.indirect.scatter.add.f32 [tilespmem:s17], [sflag:$0x5], $0x80, s29, s13, $0xb8;
	[tilespmem:$0x1F000] =	vst v63  }
0x3e: {  	_ =	swait.ge [sflag:s25], $0x2000  }
0x3f: {  	[sflag:s25] =	ssyncset.done $0x0  }
0x40: {  	s30 =	simm.s32 $0x280;
	s29 =	simm.s32 $0x600;
	[sflag:s25] =	ssyncadd.s32 $0xFFFFE000  }
.LBB2_2:
0x41: {  	[tilespmem:s21], [sflag:$0x3] =	stream.indirect.gather [hbm4b:s4+s13], $0x80, s30, s13, $0xb8;
	[tilespmem:$0x1F000] =	vst v63  }
0x42: {  	s30 =	smov.u32 s29  }
0x43: {  	p0 =	sne.s32 s29, $0x13200;
	s29 =	sadd.s32 $0x600, s29;
	_ =	swait.ge [sflag:s22], $0x2000  }
0x44: {  	s30 =	sshra.s32 s30, $0x2;
	[sflag:s22] =	ssyncset.done $0x0  }
0x45: {  	s31 =	sadd.s32 $0x140, s30;
	[sflag:s22] =	ssyncadd.s32 $0xFFFFE000  }
0x46: {  	[spmem:s2] =	stream.indirect.scatter.add.f32 [tilespmem:s21], [sflag:$0x6], $0x80, s31, s13, $0xb8;
	[tilespmem:$0x1F000] =	vst v63  }
0x47: {  	_ =	swait.ge [sflag:s23], $0x2000  }
0x48: {  	[sflag:s23] =	ssyncset.done $0x0  }
0x49: {  	s31 =	sadd.s32 $0x180, s30;
	[sflag:s23] =	ssyncadd.s32 $0xFFFFE000  }
0x4a: {  	[tilespmem:s14], [sflag:$0x1] =	stream.indirect.gather [hbm4b:s4+s13], $0x80, s31, s13, $0xb8;
	[tilespmem:$0x1F000] =	vst v63  }
0x4b: {  	_ =	swait.ge [sflag:s15], $0x2000  }
0x4c: {  	[sflag:s15] =	ssyncset.done $0x0  }
0x4d: {  	s31 =	sadd.s32 $0x1C0, s30;
	[sflag:s15] =	ssyncadd.s32 $0xFFFFE000  }
0x4e: {  	[spmem:s2] =	stream.indirect.scatter.add.f32 [tilespmem:s14], [sflag:$0x4], $0x80, s31, s13, $0xb8;
	[tilespmem:$0x1F000] =	vst v63  }
0x4f: {  	_ =	swait.ge [sflag:s24], $0x2000  }
0x50: {  	[sflag:s24] =	ssyncset.done $0x0  }
0x51: {  	s31 =	sadd.s32 $0x200, s30;
	[sflag:s24] =	ssyncadd.s32 $0xFFFFE000  }
0x52: {  	[tilespmem:s17], [sflag:$0x2] =	stream.indirect.gather [hbm4b:s4+s13], $0x80, s31, s13, $0xb8;
	[tilespmem:$0x1F000] =	vst v63  }
0x53: {  	_ =	swait.ge [sflag:s18], $0x2000  }
0x54: {  	[sflag:s18] =	ssyncset.done $0x0  }
.Ltmp0:
0x55: {  	s31 =	sadd.s32 $0x240, s30;
	[sflag:s18] =	ssyncadd.s32 $0xFFFFE000;
	(pc) =	sbr.rel @p0 .LBB2_2-.Ltmp0, $4  }
0x56: {  	[spmem:s2] =	stream.indirect.scatter.add.f32 [tilespmem:s17], [sflag:$0x5], $0x80, s31, s13, $0xb8;
	[tilespmem:$0x1F000] =	vst v63  }
0x57: {  	_ =	swait.ge [sflag:s25], $0x2000  }
0x58: {  	[sflag:s25] =	ssyncset.done $0x0  }
0x59: {  	s30 =	sadd.s32 $0x280, s30;
	[sflag:s25] =	ssyncadd.s32 $0xFFFFE000  }
0x5a: {  	[tilespmem:s21], [sflag:$0x3] =	stream.indirect.gather [hbm4b:s4+s13], $0x80, s30, s13, $0xb8;
	[tilespmem:$0x1F000] =	vst v63  }
0x5b: {  	_ =	swait.ge [sflag:s22], $0x2000  }
0x5c: {  	[sflag:s22] =	ssyncset.done $0x0  }
0x5d: {  	[sflag:s22] =	ssyncadd.s32 $0xFFFFE000  }
0x5e: {  	[spmem:s2] =	stream.indirect.scatter.add.f32 [tilespmem:s21], [sflag:$0x6], $0x80, s26, s13, $0xb8;
	[tilespmem:$0x1F000] =	vst v63  }
0x5f: {  	_ =	swait.ge [sflag:s23], $0x2000  }
0x60: {  	[sflag:s23] =	ssyncset.done $0x0  }
0x61: {  	[sflag:s23] =	ssyncadd.s32 $0xFFFFE000  }
0x62: {  	_ =	swait.ge [sflag:s24], $0x2000  }
0x63: {  	[sflag:s24] =	ssyncset.done $0x0  }
0x64: {  	[sflag:s24] =	ssyncadd.s32 $0xFFFFE000  }
0x65: {  	_ =	swait.ge [sflag:s25], $0x2000  }
0x66: {  	s28 =	sadd.s32 $0x1, s28;
	[sflag:s25] =	ssyncset.done $0x0  }
0x67: {  	p0 =	sne.s32 s28, s9;
	[sflag:s25] =	ssyncadd.s32 $0xFFFFE000  }
.Ltmp1:
0x68: {  	[bflag:$0x0] =	sbarrier.arrive $0xFFFF;
	(pc) =	sbr.rel @p0 .LBB2_1-.Ltmp1, $4  }
0x69: {  	[hbm:s8], [sflag:s7] =	dma.local [spmem:s10], $0x2800  }
0x6a: {  	_ =	swait.ge [sflag:s11], $0x2800  }
0x6b: {  	[sflag:s11] =	ssyncset.done $0x0  }
0x6c: {  	[sflag:s11] =	ssyncadd.s32 $0xFFFFD800  }
0x6d: {  	_ =	sfence.sel $0x180000  }
0x6e: {  	[bflag:$0x0] =	sbarrier.arrive $0xFFFF  }
0x6f: {  	p0 =	sne.s32 s1, $0x0;
	_ =	strace $0x9000004D  }
0x70: {  	s0 =	sadd.s32 @!p0 $0x100000, s0;
	[bflag:$0x2] =	sbarrier.arrive $0xFFFF  }
0x71: {  	[sflag:s0] =	ssyncadd.tile.s32 @!p0 $0x1;
	_ =	shalt  }
.Lfunc_end2:
_tile_overlayer_lowered:
.L_overlay_start_2:
0x72: {  	(tag) =	ssettag $0x2  }
0x73: {  	s0 =	rddreg [dreg:$0x0];
	s2 =	stileid.u32  }
0x74: {  	s1 =	rddreg [dreg:$0x1];
	p0 =	sne.s32 s2, $0x0  }
0x75: {  	s3 =	rddreg [dreg:$0x2];
	[bflag:$0x3] =	sbarrier.arrive $0xFFFF;
	s2 =	simm.s32 @!p0 $0x1C08  }
0x76: {  	[timem:s3], [sflag:s2] =	dma.local @!p0 [hbm:s0], s1  }
0x77: {  	s0 =	simm.s32 @!p0 $0x8  }
0x78: {  	_ =	swait.ge @!p0 [sflag:s0], s1  }
0x79: {  	s1 =	ssub.s32 @!p0 $0x0, s1;
	[sflag:s0] =	ssyncset.done @!p0 $0x0  }
0x7a: {  	[sflag:s0] =	ssyncadd.s32 @!p0 s1  }
0x7b: {  	[bflag:$0x3] =	sbarrier.arrive $0xFFFF  }
0x7c: {  	_ =	shalt  }

// kernel: kernel.8.cloned.1.call-start
scs
__scs_entry_jumppad:
0x0: {  	(pc) =	sbr.rel $0x88, $3  }
0x1: {  	(tag) =	ssettag $0x0;
	lr =	simm.s32 $0x1  }
0x2: {  	[smem:$0x3F9B] =	sst lr;
	_ =	strace $0xD0000000  }
0x3: {  	_ = 	snop  }
0x4: {  	_ = 	snop  }
0x5: {  	_ = 	snop  }
0x6: {  	_ = 	snop  }
0x7: {  	_ = 	snop  }
__scs_overlays_trampoline_lowered:
0x8: {  	[smem:$0x3FAA] =	sst s0  }
0x9: {  	[smem:$0x3FAB] =	sst s1  }
0xa: {  	[smem:$0x3FAC] =	sst s2  }
0xb: {  	[smem:$0x3FAD] =	sst s3  }
0xc: {  	[smem:$0x3FAE] =	sst s4  }
0xd: {  	[smem:$0x3FAF] =	sst s5  }
0xe: {  	[smem:$0x3FB0] =	sst s6  }
0xf: {  	[smem:$0x3FB1] =	sst s7  }
0x10: {  	[smem:$0x3FB2] =	sst s8  }
0x11: {  	[smem:$0x3FB3] =	sst s9;
	s0 =	simm.s32 @!p0 $0x0  }
0x12: {  	s1 =	sld [smem:$0x3F99];
	s0 =	simm.s32 @p0 $0x1  }
0x13: {  	[smem:$0x3FB4] =	sst s0;
	s0 =	simm.s32 @!p1 $0x0  }
0x14: {  	s2 =	sld [smem:$0x3F98];
	s0 =	simm.s32 @p1 $0x1  }
0x15: {  	[smem:$0x3FB5] =	sst s0;
	s0 =	simm.s32 @!p2 $0x0  }
0x16: {  	s3 =	sld [smem:$0x3FDB];
	s0 =	simm.s32 @p2 $0x1  }
0x17: {  	s4 =	simm.s32 $0x1BF5;
	[smem:$0x3FB7] =	sst s0  }
0x18: {  	s0 =	sld [smem:$0x3F9A];
	_ =	swait.ge [sflag:s4], $0x0  }
0x19: {  	s7 =	sld [smem:$0x3F9B]  }
0x1a: {  	s8 =	sadd.s32 $0xFFFFE003, lr  }
0x1b: {  	s9 =	sadd.s32 $0xFFFFFEF7, lr;
	s5 =	simm.s32 $0xFFFFFFFF;
	p2 =	slt.u32 s8, $0xFFFFF086  }
0x1c: {  	p1 =	slt.u32 s9, $0xF7A;
	s5 =	simm.s32 @!p2 $0x0  }
0x1d: {  	s5 =	simm.s32 @p1 $0x1;
	p0 =	seq.s32 s7, s2  }
0x1e: {  	s7 =	smul.u32 @!p0 $0xF7A, s2;
	p2 =	seq.s32 @!p0 s5, $0x0  }
0x1f: {  	s9 =	smul.u32 $0xF7A, s1;
	s8 =	simm.s32 @!p0 $0x1BF5;
	p2 =	por !p2, p0  }
0x20: {  	[sflag:s8] =	ssyncset.s32 @!p0 $0xFFFFF086;
	s6 =	sadd.s32 @!p0 s3, s7;
	s7 =	simm.s32 @!p0 $0x108  }
0x21: {  	s3 =	sadd.s32 s3, s9;
	s6 =	sadd.s32 @!p0 $0x88, s6;
	s7 =	simm.s32 @p2 $0x1082  }
0x22: {  	[simem:s7], [sflag:s8] =	dma.local @!p0 [hbm:s6], $0xF7A  }
0x23: {  	s9 =	sor.u32 $0xD0000000, s2;
	s6 =	simm.s32 $0x108;
	_ =	swait.ge @!p0 [sflag:s8], $0x0  }
0x24: {  	s3 =	sadd.s32 $0x88, s3;
	s6 =	simm.s32 @!p1 $0x1082;
	[sflag:s4] =	ssyncset.s32 $0xFFFFF086  }
0x25: {  	[simem:s6], [sflag:s4] =	dma.local [hbm:s3], $0xF7A  }
0x26: {  	[smem:$0x3F9B] =	sst s1;
	(tag) =	ssettag s2;
	_ =	strace s9  }
0x27: {  	s1 =	sld [smem:$0x3FAB]  }
0x28: {  	s2 =	sld [smem:$0x3FAC]  }
0x29: {  	s4 =	sld [smem:$0x3FAE]  }
0x2a: {  	p0 =	seq.s32 s5, $0x0;
	s5 =	sld [smem:$0x3FAF]  }
0x2b: {  	s6 =	sld [smem:$0x3FB0]  }
0x2c: {  	s7 =	sld [smem:$0x3FB1]  }
0x2d: {  	s3 =	simm.s32 $0x108;
	s8 =	sld [smem:$0x3FB2]  }
0x2e: {  	s3 =	simm.s32 @!p0 $0x1082;
	s9 =	sld [smem:$0x3FB3]  }
0x2f: {  	lr =	sadd.s32 s0, s3;
	s0 =	sld [smem:$0x3FAA]  }
0x30: {  	s3 =	sld [smem:$0x3FAD]  }
0x31: {  	[smem:$0x3FB6] =	sst s10  }
0x32: {  	s10 =	sld [smem:$0x3FB4];
	_ =	sdelay $0x3  }
0x33: {  	p0 =	seq.s32 s10, $0x1;
	s10 =	sld [smem:$0x3FB6];
	_ =	sdelay $0x3  }
0x34: {  	[smem:$0x3FB6] =	sst s10  }
0x35: {  	s10 =	sld [smem:$0x3FB5];
	_ =	sdelay $0x3  }
0x36: {  	p1 =	seq.s32 s10, $0x1;
	s10 =	sld [smem:$0x3FB6];
	_ =	sdelay $0x3  }
0x37: {  	[smem:$0x3FB6] =	sst s10  }
0x38: {  	s10 =	sld [smem:$0x3FB7]  }
0x39: {  	_ = 	snop;
	(pc) =	sbr.ind lr, $3  }
0x3a: {  	_ = 	snop  }
0x3b: {  	_ = 	snop  }
0x3c: {  	p2 =	seq.s32 s10, $0x1;
	s10 =	sld [smem:$0x3FB6]  }
0x3d: {  	_ =	shalt  }
0x3e: {  	_ =	shalt  }
0x3f: {  	_ =	shalt  }
0x40: {  	_ =	shalt  }
0x41: {  	_ =	shalt  }
0x42: {  	_ =	shalt  }
0x43: {  	_ =	shalt  }
0x44: {  	_ =	shalt  }
0x45: {  	_ =	shalt  }
0x46: {  	_ =	shalt  }
0x47: {  	_ =	shalt  }
0x48: {  	_ =	shalt  }
0x49: {  	_ =	shalt  }
0x4a: {  	_ =	shalt  }
0x4b: {  	_ =	shalt  }
0x4c: {  	_ =	shalt  }
0x4d: {  	_ =	shalt  }
0x4e: {  	_ =	shalt  }
0x4f: {  	_ =	shalt  }
0x50: {  	_ =	shalt  }
0x51: {  	_ =	shalt  }
0x52: {  	_ =	shalt  }
0x53: {  	_ =	shalt  }
0x54: {  	_ =	shalt  }
0x55: {  	_ =	shalt  }
0x56: {  	_ =	shalt  }
0x57: {  	_ =	shalt  }
0x58: {  	_ =	shalt  }
0x59: {  	_ =	shalt  }
0x5a: {  	_ =	shalt  }
0x5b: {  	_ =	shalt  }
0x5c: {  	_ =	shalt  }
0x5d: {  	_ =	shalt  }
0x5e: {  	_ =	shalt  }
0x5f: {  	_ =	shalt  }
0x60: {  	_ =	shalt  }
0x61: {  	_ =	shalt  }
0x62: {  	_ =	shalt  }
0x63: {  	_ =	shalt  }
0x64: {  	_ =	shalt  }
0x65: {  	_ =	shalt  }
0x66: {  	_ =	shalt  }
0x67: {  	_ =	shalt  }
0x68: {  	_ =	shalt  }
0x69: {  	_ =	shalt  }
0x6a: {  	_ =	shalt  }
0x6b: {  	_ =	shalt  }
0x6c: {  	_ =	shalt  }
0x6d: {  	_ =	shalt  }
0x6e: {  	_ =	shalt  }
0x6f: {  	_ =	shalt  }
0x70: {  	_ =	shalt  }
0x71: {  	_ =	shalt  }
0x72: {  	_ =	shalt  }
0x73: {  	_ =	shalt  }
0x74: {  	_ =	shalt  }
0x75: {  	_ =	shalt  }
0x76: {  	_ =	shalt  }
0x77: {  	_ =	shalt  }
0x78: {  	_ =	shalt  }
0x79: {  	_ =	shalt  }
0x7a: {  	_ =	shalt  }
0x7b: {  	_ =	shalt  }
0x7c: {  	_ =	shalt  }
0x7d: {  	_ =	shalt  }
0x7e: {  	_ =	shalt  }
0x7f: {  	_ =	shalt  }
0x80: {  	_ =	shalt  }
0x81: {  	_ =	shalt  }
0x82: {  	_ =	shalt  }
0x83: {  	_ =	shalt  }
0x84: {  	_ =	shalt  }
0x85: {  	_ =	shalt  }
0x86: {  	_ =	shalt  }
0x87: {  	_ =	shalt  }
.Lfunc_end0:
.L_simem_size_0:
called_computation_lowered:
.L_overlay_start_0:
0x88: {  	s2 =	sld [smem:$0x3FD9]  }
0x89: {  	s3 =	sld [smem:$0x3FFE];
	_ =	sdelay $0x1  }
0x8a: {  	s1 =	srdreg.scid  }
0x8b: {  	s0 =	sand.u32 $0x1, s1  }
0x8c: {  	s16 =	sshll.u32 s0, $0xA;
	s2 =	sadd.s32 s3, s2  }
0x8d: {  	s2 =	sadd.s32 s2, s16  }
0x8e: {  	[smem:$0x3FC2] =	sst s2  }
0x8f: {  	_ = 	snop  }
0x90: {  	(tm) =	ssettm $0x1  }
0x91: {  	s17 =	sld [smem:$0x3FFB];
	_ =	sdelay $0x3  }
0x92: {  	_ =	strace s17  }
0x93: {  	s2 =	sld [smem:$0x3FFC];
	_ =	sdelay $0x3  }
0x94: {  	_ =	strace s2  }
0x95: {  	s2 =	sld [smem:$0x3FFD];
	_ =	sdelay $0x3  }
0x96: {  	_ =	strace s2  }
0x97: {  	_ =	strace $0x8FFFFFFF  }
0x98: {  	s18 =	sld [smem:$0x3FDB];
	_ =	sdelay $0x1  }
0x99: {  	s19 =	simm.s32 $_scs_section_size  }
0x9a: {  	s4 =	simm.s32 $_size__tile_overlayer_lowered;
	s5 =	simm.s32 $_tile_overlayer_lowered  }
0x9b: {  	s22 =	simm.s32 $0x1BFF;
	s21 =	sshll.u32 s5, $0x1;
	s2 =	sadd.s32 s19, s18  }
0x9c: {  	s6 =	simm.s32 $0x0;
	s20 =	sshll.u32 s4, $0x1;
	s4 =	sadd.s32 s21, s2  }
0x9d: {  	[timem:s6], [sflag:s22] =	dma.local [hbm:s4], s20  }
0x9e: {  	_ =	swait.ge [sflag:s22], s20  }
0x9f: {  	s3 =	ssub.s32 $0x0, s20;
	[sflag:s22] =	ssyncset.done $0x0  }
0xa0: {  	[sflag:s22] =	ssyncadd.s32 s3;
	_ =	sdelay $0x1  }
0xa1: {  	s23 =	simm.s32 $0x1B8B  }
0xa2: {  	_ =	swait.ge [sflag:s23], $0x1  }
0xa3: {  	[sflag:s23] =	ssyncset.done $0x0  }
0xa4: {  	s25 =	simm.s32 $0x1B8E;
	s24 =	sld [smem:$0x3FFE];
	[sflag:s23] =	ssyncadd.s32 $0xFFFFFFFF  }
0xa5: {  	s26 =	simm.s32 $execute0_lowered;
	[smem:$0x3FD2] =	sst s25  }
0xa6: {  	s4 =	sshll.u32 s26, $0x1;
	_ =	strace $0x80000046;
	[dreg:$0x1] =	wrdreg $0xFFFFFFFF  }
0xa7: {  	s28 =	simm.s32 $_size_execute0_lowered;
	s2 =	sadd.s32 s2, s4;
	[dreg:$0x0] =	wrdreg $0x0  }
0xa8: {  	s4 =	sshll.u32 s28, $0x1;
	[dreg:$0x2] =	wrdreg s2  }
0xa9: {  	[dreg:$0x3] =	wrdreg s4  }
0xaa: {  	[dreg:$0x4] =	wrdreg $0xC0  }
0xab: {  	_ =	task [dreg:s6], $0x5FFFF  }
0xac: {  	[dreg:$0x1] =	wrdreg $0xFFFFFFFF  }
0xad: {  	[dreg:$0x0] =	wrdreg $0x60  }
0xae: {  	[dreg:$0x2] =	wrdreg s24  }
0xaf: {  	[dreg:$0x3] =	wrdreg $0x9  }
0xb0: {  	_ =	task.clear_ibuf [dreg:s6], $0x4FFFF;
	_ =	strace $0x90000046  }
0xb1: {  	s29 =	simm.s32 $0x9;
	_ =	strace $0x80000048  }
0xb2: {  	_ =	swait.ge [sflag:s29], $0x1  }
0xb3: {  	[sflag:s29] =	ssyncadd.s32 $0xFFFFFFFF  }
0xb4: {  	_ =	strace $0x90000048  }
0xb5: {  	_ =	sfence  }
0xb6: {  	s30 =	sld [smem:$0x0];
	_ =	sdelay $0x2  }
0xb7: {  	s31 =	sshll.u32 s1, $0xD;
	s1 =	sshrl.u32 s1, $0x2  }
0xb8: {  	s3 =	sand.u32 $0x4000, s31;
	s1 =	sadd.s32 s1, s30  }
0xb9: {  	s0 =	sor.u32 s3, s0;
	s1 =	sshll.u32 s1, $0x11  }
0xba: {  	s0 =	sor.u32 s1, s0  }
0xbb: {  	s0 =	sadd.s32 $0x8F2B, s0  }
0xbc: {  	[sflag:s0] =	ssyncadd.remote.s32 $0x1  }
0xbd: {  	_ =	sfence.sel $0xFFFF  }
0xbe: {  	[dreg:$0x0] =	wrdreg $0xFFFFFFFF;
	(pc) =	sbr.abs _section_cstart, $3  }
0xbf: {  	[dreg:$0x1] =	wrdreg $0xFFFFFFFF  }
0xc0: {  	_ =	task.clear_ibuf [dreg:s6], $0x2FFFF;
	_ =	strace $0x9FFFFFFF  }
0xc1: {  	(tm) =	ssettm $0x7FFFFFFF  }
tec
execute0_lowered:
.L_overlay_start_1:
0x0: {  	(tag) =	ssettag $0x1  }
0x1: {  	s1 =	srdreg.scid;
	s0 =	stileid.u32  }
0x2: {  	s3 =	rddreg [dreg:$0x0];
	s8 =	simm.s32 $0x80;
	s9 =	simm.s32 $0x400  }
0x3: {  	s4 =	sand.u32 $0x1, s1;
	s2 =	sshll.u32 s0, $0x1;
	s1 =	rddreg [dreg:$0x1]  }
0x4: {  	s6 =	sshrl.u32 s0, $0x2;
	s5 =	sor.u32 s4, s2;
	s2 =	simm.s32 $0x0  }
0x5: {  	s6 =	smul.u32 $0x14000, s6;
	s4 =	ssub.s32 $0x2, s4;
	s7 =	sshll.u32 s5, $0x7  }
0x6: {  	[smem:$0x7FF] =	sst s2;
	s5 =	smul.u32 $0x4F8, s5;
	s7 =	sand.u32 $0x380, s7  }
0x7: {  	s31 =	sshrl.u32 s4, $0x1;
	_ =	strace $0x80000047;
	s6 =	sor.u32 s6, s7  }
0x8: {  	s5 =	sadd.s32 s5, s3;
	s7 =	ssub.s32 s4, s31;
	s6 =	sshrl.u32 s6, $0x3  }
0x9: {  	s6 =	sadd.s32 s6, s3;
	s3 =	sadd.s32 $0x2400, s5;
	s5 =	smax.u32 s7, $0x1  }
0xa: {  	v0 =	vimm.f32 $0.0e+00;
	v1 =	vimm.f32 $1.000000000e+00;
	s7 =	simm.s32 $0x2800;
	s4 =	sadd.s32 $0xC400, s6;
	s6 =	simm.s32 $0x1  }
.LBB2_1:
0xb: {  	s10 =	simm.s32 $0x40;
	s11 =	simm.s32 $0x0  }
.LBB2_2:
0xc: {  	p0 =	sne.s32 s10, $0x9FC0;
	[tilespmem:s11+$0x2800] =	vst v0;
	s11 =	smov.u32 s10;
	s10 =	sadd.s32 $0x40, s10  }
.Ltmp0:
0xd: {  	(pc) =	sbr.rel @p0 .LBB2_2-.Ltmp0, $2  }
0xe: {  	_ =	sdelay $0x2  }
0xf: {  	s11 =	sshra.s32 s11, $0x2  }
0x10: {  	[tilespmem:s11+$0x2800] =	vst v0;
	s10 =	simm.s32 $0x0  }
0x11: {  	[tilespmem:s10], [sflag:$0x1] =	stream.linear.gather [hbm4b:s3+s10], $0x27C0, $0x38;
	[tilespmem:$0x5000] =	vst v63  }
0x12: {  	_ =	swait.ge [sflag:s6], $0x27C0  }
0x13: {  	[sflag:s6] =	ssyncset.done $0x0  }
0x14: {  	s11 =	simm.s32 $0x0;
	s10 =	simm.s32 $0x40;
	[sflag:s6] =	ssyncadd.s32 $0xFFFFD840  }
.LBB2_4:
0x15: {  	p0 =	sne.s32 s10, $0x9EC0;
	v2 =	vld [tilespmem:s11+$0x0];
	_ =	sdelay $0x3  }
.Ltmp1:
0x16: {  	(pc) =	sbr.rel @p0 .LBB2_4-.Ltmp1, $2  }
0x17: {  	_ =	sdelay $0x2  }
0x18: {  	s11 =	sshra.s32 s10, $0x2;
	s10 =	sadd.s32 $0x40, s10;
	[tilespmem:v2+s7+$0x0] =	vst.idx.add.f32.msk $0xffff, v1  }
0x19: {  	v2 =	vld [tilespmem:s11+$0x0];
	_ =	sdelay $0x5  }
0x1a: {  	s2 =	sadd.s32 $0x1, s2  }
0x1b: {  	p0 =	sne.s32 s2, s5  }
.Ltmp2:
0x1c: {  	[tilespmem:v2+s7+$0x0] =	vst.idx.add.f32.msk $0xffff, v1;
	(pc) =	sbr.rel @p0 .LBB2_1-.Ltmp2, $4  }
0x1d: {  	[hbm4b:s4+s8] =	stream.strided.scatter [tilespmem:s7], [sflag:$0x1], $0x2800, s9, s8, $0x38;
	[tilespmem:$0x5000] =	vst v63  }
0x1e: {  	_ =	swait.ge [sflag:s6], $0x2800  }
0x1f: {  	[sflag:s6] =	ssyncset.done $0x0  }
0x20: {  	[sflag:s6] =	ssyncadd.s32 $0xFFFFD800  }
0x21: {  	_ =	sfence.sel $0x180000  }
0x22: {  	[bflag:$0x0] =	sbarrier.arrive $0xFFFF  }
0x23: {  	p0 =	sne.s32 s0, $0x0;
	_ =	strace $0x90000047  }
0x24: {  	s0 =	sadd.s32 @!p0 $0x100000, s1;
	[bflag:$0x2] =	sbarrier.arrive $0xFFFF  }
0x25: {  	[sflag:s0] =	ssyncadd.tile.s32 @!p0 $0x1;
	_ =	shalt  }
.Lfunc_end2:
_tile_overlayer_lowered:
.L_overlay_start_2:
0x26: {  	(tag) =	ssettag $0x2  }
0x27: {  	s0 =	rddreg [dreg:$0x0];
	s2 =	stileid.u32  }
0x28: {  	s1 =	rddreg [dreg:$0x1];
	p0 =	sne.s32 s2, $0x0  }
0x29: {  	s3 =	rddreg [dreg:$0x2];
	[bflag:$0x3] =	sbarrier.arrive $0xFFFF;
	s2 =	simm.s32 @!p0 $0x1C01  }
0x2a: {  	[timem:s3], [sflag:s2] =	dma.local @!p0 [hbm:s0], s1  }
0x2b: {  	s0 =	simm.s32 @!p0 $0x1  }
0x2c: {  	_ =	swait.ge @!p0 [sflag:s0], s1  }
0x2d: {  	s1 =	ssub.s32 @!p0 $0x0, s1;
	[sflag:s0] =	ssyncset.done @!p0 $0x0  }
0x2e: {  	[sflag:s0] =	ssyncadd.s32 @!p0 s1  }
0x2f: {  	[bflag:$0x3] =	sbarrier.arrive $0xFFFF  }
0x30: {  	_ =	shalt  }

</sc_bundles>
